<compile_context>
chip_gen: v7x
topology: tpu7x:2x2x1
jax: 0.10.2.dev20260603
libtpu: 0.0.44.dev20260713+nightly
codegen_flags: <defaults>
</compile_context>

<pallas_src>
import functools

import jax
import jax.numpy as jnp
from jax import lax
from jax.experimental import pallas as pl
from jax.experimental.pallas import tpu as pltpu
from jax.experimental.pallas import tpu_sc as plsc

_K = 197
_KP2 = 99
_SKD_COL = 200
_DISC_COL = 304
_D = 384
_NW = 32
_CH = 64


def _sig(x):
    return 0.5 * jnp.tanh(0.5 * x) + 0.5


def _prep_body(kdT_ref, ekpT_ref, discT_ref, sembT_ref, tbl_ref, ssembT_ref):
    n = kdT_ref.shape[1]
    tbl_ref[:, 0:_K] = jnp.transpose(ekpT_ref[...])
    skd = jnp.transpose(_sig(kdT_ref[...])).astype(jnp.bfloat16)
    skd = jnp.concatenate(
        [skd, jnp.zeros((n, 2 * _KP2 - _K), jnp.bfloat16)], axis=1)
    u = jax.lax.bitcast_convert_type(skd, jnp.uint16).astype(jnp.uint32)
    w = u[:, 0:_KP2] | (u[:, _KP2:2 * _KP2] << 16)
    tbl_ref[:, _SKD_COL:_SKD_COL + _KP2] = jax.lax.bitcast_convert_type(
        w, jnp.float32)
    tbl_ref[:, _DISC_COL:_DISC_COL + 1] = jnp.transpose(
        10.0 * _sig(discT_ref[...]))
    ssembT_ref[...] = _sig(sembT_ref[...])


def _prep(kdT, ekpT, discT, sembT):
    k, exer_n = kdT.shape
    stu_n = sembT.shape[1]
    nb = 1024
    grid = ((exer_n + nb - 1) // nb,)
    return pl.pallas_call(
        _prep_body,
        grid=grid,
        in_specs=[
            pl.BlockSpec((k, nb), lambda i: (0, i)),
            pl.BlockSpec((k, nb), lambda i: (0, i)),
            pl.BlockSpec((1, nb), lambda i: (0, i)),
            pl.BlockSpec((k, stu_n), lambda i: (0, 0)),
        ],
        out_specs=[
            pl.BlockSpec((nb, _D), lambda i: (i, 0)),
            pl.BlockSpec((k, stu_n), lambda i: (0, 0)),
        ],
        out_shape=[
            jax.ShapeDtypeStruct((exer_n, _D), jnp.float32),
            jax.ShapeDtypeStruct((k, stu_n), jnp.float32),
        ],
    )(kdT, ekpT, discT, sembT)


def _sc_gather(tbl, idx):
    B = idx.shape[0]
    D = tbl.shape[1]
    bpw = B // _NW
    mesh = plsc.VectorSubcoreMesh(core_axis_name="c", subcore_axis_name="s")

    nch = bpw // _CH

    @functools.partial(
        pl.kernel,
        mesh=mesh,
        out_type=jax.ShapeDtypeStruct((B, D), jnp.float32),
        scratch_types=[
            pltpu.VMEM((_CH,), jnp.int32),
            pltpu.VMEM((_CH,), jnp.int32),
            pltpu.VMEM((_CH,), jnp.int32),
            pltpu.VMEM((_CH, D), jnp.float32),
            pltpu.VMEM((_CH, D), jnp.float32),
            pltpu.VMEM((_CH, D), jnp.float32),
            pltpu.SemaphoreType.DMA,
            pltpu.SemaphoreType.DMA,
            pltpu.SemaphoreType.DMA,
            pltpu.SemaphoreType.DMA,
            pltpu.SemaphoreType.DMA,
            pltpu.SemaphoreType.DMA,
        ],
    )
    def k(tbl_hbm, idx_hbm, out_hbm, idx_v0, idx_v1, idx_v2, r0, r1, r2,
          g0, g1, g2, s0, s1, s2):
        wid = lax.axis_index("s") * 2 + lax.axis_index("c")
        base = wid * bpw
        nb = 3
        idx_v = [idx_v0, idx_v1, idx_v2]
        rows = [r0, r1, r2]
        gsem = [g0, g1, g2]
        ssem = [s0, s1, s2]
        gh = [None] * nb
        sh = [None] * nb
        for b in range(min(nb, nch)):
            pltpu.sync_copy(idx_hbm.at[pl.ds(base + b * _CH, _CH)], idx_v[b])
            gh[b] = pltpu.async_copy(tbl_hbm.at[idx_v[b]], rows[b], gsem[b])
        for ci in range(nch):
            b = ci % nb
            gh[b].wait()
            sh[b] = pltpu.async_copy(
                rows[b], out_hbm.at[pl.ds(base + ci * _CH, _CH)], ssem[b])
            if ci + nb < nch:
                sh[b].wait()
                pltpu.sync_copy(
                    idx_hbm.at[pl.ds(base + (ci + nb) * _CH, _CH)], idx_v[b])
                gh[b] = pltpu.async_copy(tbl_hbm.at[idx_v[b]], rows[b],
                                         gsem[b])
        for b in range(min(nb, nch)):
            if sh[b] is not None:
                sh[b].wait()

    return k(tbl, idx)


def _mlp_body(g_ref, mT_ref, sid_ref, ssembT_ref,
              w1_ref, b1_ref, w2_ref, b2_ref, w3_ref, b3_ref,
              outT_ref, ekpT_ref):
    bb = g_ref.shape[0]
    stu_n = ssembT_ref.shape[1]
    ids = jnp.reshape(sid_ref[...], (1, bb))
    col = lax.broadcasted_iota(jnp.int32, (stu_n, bb), 0)
    ohT = (ids == col).astype(jnp.bfloat16)
    statT = jnp.dot(ssembT_ref[...].astype(jnp.bfloat16), ohT,
                    preferred_element_type=jnp.float32)

    gT = jnp.transpose(g_ref[...])
    ekpT = gT[0:_K, :]
    ekpT_ref[...] = ekpT
    discT = gT[_DISC_COL:_DISC_COL + 1, :]
    w = jax.lax.bitcast_convert_type(
        gT[_SKD_COL:_SKD_COL + _KP2, :], jnp.uint32)
    lo = jax.lax.bitcast_convert_type(
        (w & 0xFFFF).astype(jnp.uint16), jnp.bfloat16)
    hi = jax.lax.bitcast_convert_type(
        (w >> 16).astype(jnp.uint16), jnp.bfloat16)
    skdT = jnp.concatenate([lo, hi], axis=0)[0:_K, :]

    bf = jnp.bfloat16
    xT = (discT.astype(bf) * (statT.astype(bf) - skdT)
          * (mT_ref[...].astype(bf) * _sig(ekpT).astype(bf)))
    h1T = _sig(
        jnp.dot(w1_ref[...].astype(jnp.bfloat16), xT,
                preferred_element_type=jnp.float32)
        + b1_ref[...])
    h2T = _sig(
        jnp.dot(w2_ref[...].astype(jnp.bfloat16), h1T.astype(jnp.bfloat16),
                preferred_element_type=jnp.float32)
        + b2_ref[...])
    pT = _sig(
        jnp.dot(w3_ref[...], h2T, preferred_element_type=jnp.float32)
        + b3_ref[...])
    outT_ref[0:1, :] = 1.0 - pT
    outT_ref[1:2, :] = pT


def _tc_mlp(gathered, masksT, sid, ssembT, w1, b1c, w2, b2c, w3, b3c,
            half_blocks, half):
    BB = 4096
    H = half_blocks * BB
    off = half * half_blocks
    k, stu_n = ssembT.shape
    l1, l2 = w1.shape[0], w2.shape[0]
    full = lambda shp: pl.BlockSpec(shp, lambda i: (0, 0))
    return pl.pallas_call(
        _mlp_body,
        grid=(half_blocks,),
        in_specs=[
            pl.BlockSpec((BB, _D), lambda i: (i, 0)),
            pl.BlockSpec((k, BB), lambda i: (0, i + off)),
            pl.BlockSpec((BB,), lambda i: (i + off,)),
            full((k, stu_n)),
            full((l1, k)), full((l1, 1)),
            full((l2, l1)), full((l2, 1)),
            full((1, l2)), full((1, 1)),
        ],
        out_specs=[
            pl.BlockSpec((2, BB), lambda i: (0, i)),
            pl.BlockSpec((k, BB), lambda i: (0, i)),
        ],
        out_shape=[
            jax.ShapeDtypeStruct((2, H), jnp.float32),
            jax.ShapeDtypeStruct((k, H), jnp.float32),
        ],
    )(gathered, masksT, sid, ssembT, w1, b1c, w2, b2c, w3, b3c)


def kernel(stu_id, input_exercise, knowledge_masks, student_emb, k_difficulty,
           e_discrimination, e_k_prob, W1, b1, W2, b2, W3, b3):
    tbl, ssembT = _prep(k_difficulty.T, e_k_prob.T, e_discrimination.T,
                        student_emb.T)
    idx = input_exercise.astype(jnp.int32)
    gathered = _sc_gather(tbl, idx)
    outT, ekpT = _tc_mlp(
        gathered, knowledge_masks.T, stu_id.astype(jnp.int32),
        ssembT, W1, b1.reshape(-1, 1), W2, b2.reshape(-1, 1),
        W3, b3.reshape(-1, 1), half_blocks=idx.shape[0] // 4096, half=0)
    return (outT.T, ekpT.T)

# --- scband reference (transcript-rebuilt; emitter-appended) ---
"""Pipeline reference for scband-net-1906965479474 (READ-ONLY COPY).

The authoritative reference and input builder live on the scoring server;
editing this copy changes nothing except your own understanding.
"""

import jax, jax.numpy as jnp
import numpy as np

STU_N = 190
EXER_N = 3790
K_N = 197
B = 16384
L1 = 512
L2 = 256


def setup_inputs(seed: int = 0) -> dict:
    key = jax.random.key(seed)
    ks = jax.random.split(key, 13)
    stu_id = jax.random.randint(ks[0], (B,), 0, STU_N, dtype=jnp.int64 if jax.config.jax_enable_x64 else jnp.int32)
    input_exercise = jax.random.randint(ks[1], (B,), 0, EXER_N, dtype=jnp.int64 if jax.config.jax_enable_x64 else jnp.int32)
    knowledge_masks = (jax.random.uniform(ks[2], (B, K_N)) < 0.2).astype(jnp.float32)
    student_emb = jax.random.normal(ks[3], (STU_N, K_N), dtype=jnp.float32)
    k_difficulty = jax.random.normal(ks[4], (EXER_N, K_N), dtype=jnp.float32)
    e_discrimination = jax.random.normal(ks[5], (EXER_N, 1), dtype=jnp.float32)
    e_k_prob = jax.random.normal(ks[6], (EXER_N, K_N), dtype=jnp.float32)
    # xavier-uniform style init for linear weights (torch Linear stores [out, in])
    lim1 = float(np.sqrt(6.0 / (K_N + L1)))
    lim2 = float(np.sqrt(6.0 / (L1 + L2)))
    lim3 = float(np.sqrt(6.0 / (L2 + 1)))
    W1 = jax.random.uniform(ks[7], (L1, K_N), minval=-lim1, maxval=lim1, dtype=jnp.float32)
    b1 = jnp.zeros((L1,), dtype=jnp.float32)
    W2 = jax.random.uniform(ks[8], (L2, L1), minval=-lim2, maxval=lim2, dtype=jnp.float32)
    b2 = jnp.zeros((L2,), dtype=jnp.float32)
    W3 = jax.random.uniform(ks[9], (1, L2), minval=-lim3, maxval=lim3, dtype=jnp.float32)
    b3 = jnp.zeros((1,), dtype=jnp.float32)
    return {
        "stu_id": stu_id,
        "input_exercise": input_exercise,
        "knowledge_masks": knowledge_masks,
        "student_emb": student_emb,
        "k_difficulty": k_difficulty,
        "e_discrimination": e_discrimination,
        "e_k_prob": e_k_prob,
        "W1": W1, "b1": b1,
        "W2": W2, "b2": b2,
        "W3": W3, "b3": b3,
    }


def reference(stu_id, input_exercise, knowledge_masks, student_emb, k_difficulty,
              e_discrimination, e_k_prob, W1, b1, W2, b2, W3, b3):
    # Embedding lookups (gather)
    stu_emb = jnp.take(student_emb, stu_id, axis=0)
    stat_emb = jax.nn.sigmoid(stu_emb)
    k_diff = jax.nn.sigmoid(jnp.take(k_difficulty, input_exercise, axis=0))
    e_disc = jax.nn.sigmoid(jnp.take(e_discrimination, input_exercise, axis=0)) * 10.0
    ekp = jnp.take(e_k_prob, input_exercise, axis=0)
    ekp2 = jax.nn.sigmoid(ekp)
    input_x = e_disc * (stat_emb - k_diff) * (knowledge_masks * ekp2)
    # prednet (dropout is identity in eval mode)
    h1 = jax.nn.sigmoid(input_x @ W1.T + b1)
    h2 = jax.nn.sigmoid(h1 @ W2.T + b2)
    output_1 = jax.nn.sigmoid(h2 @ W3.T + b3)
    output_0 = jnp.ones_like(output_1) - output_1
    output = jnp.concatenate((output_0, output_1), axis=1)
    return (output, ekp)

if __name__ == "__main__":
    import jax
    _d = setup_inputs()
    print(jax.jit(kernel)(*tuple(_d.values())))

</pallas_src>

<mosaic_0001>
#map = affine_map<(d0, d1) -> (0, 0)>
#map1 = affine_map<(d0, d1) -> (0)>
module attributes {stable_mosaic.version = 14 : i64} {
  func.func @k(%arg0: i32, %arg1: i32, %arg2: memref<3790x384xf32, #tpu.memory_space<hbm>>, %arg3: memref<16384xi32, #tpu.memory_space<hbm>>, %arg4: memref<16384x384xf32, #tpu.memory_space<hbm>>, %arg5: memref<64xi32, #tpu.memory_space<vmem>>, %arg6: memref<64xi32, #tpu.memory_space<vmem>>, %arg7: memref<64xi32, #tpu.memory_space<vmem>>, %arg8: memref<64x384xf32, #tpu.memory_space<vmem>>, %arg9: memref<64x384xf32, #tpu.memory_space<vmem>>, %arg10: memref<64x384xf32, #tpu.memory_space<vmem>>, %arg11: memref<!tpu.dma_semaphore, #tpu.memory_space<semaphore_mem>>, %arg12: memref<!tpu.dma_semaphore, #tpu.memory_space<semaphore_mem>>, %arg13: memref<!tpu.dma_semaphore, #tpu.memory_space<semaphore_mem>>, %arg14: memref<!tpu.dma_semaphore, #tpu.memory_space<semaphore_mem>>, %arg15: memref<!tpu.dma_semaphore, #tpu.memory_space<semaphore_mem>>, %arg16: memref<!tpu.dma_semaphore, #tpu.memory_space<semaphore_mem>>) attributes {dimension_semantics = [#tpu.dimension_semantics<core_parallel>, #tpu.dimension_semantics<subcore_parallel>], iteration_bounds = array<i64: 2, 16>, scalar_prefetch = 0 : i64, scratch_operands = 12 : i64, tpu.core_type = #tpu.core_type<sc_vector_subcore>, window_params = [{transform_indices = #map}, {transform_indices = #map1}, {transform_indices = #map}]} {
    %mul3A = arith.constant 2 : i32
    %mul3A_0 = arith.muli %arg1, %mul3A : i32
    %add3A = arith.addi %mul3A_0, %arg0 : i32
    %mul3A_1 = arith.constant 512 : i32
    %mul3A_2 = arith.muli %add3A, %mul3A_1 : i32
    %add3A_3 = arith.constant 0 : i32
    %add3A_4 = arith.addi %mul3A_2, %add3A_3 : i32
    "tpu.region"() ({
      %run_scoped3A = tpu.sem_alloc : memref<!tpu.dma_semaphore, #tpu.memory_space<semaphore_mem>>
      %dma_start3A_145 = tpu.memref_slice %arg3[%add3A_4] : memref<16384xi32, #tpu.memory_space<hbm>> -> memref<64xi32, #tpu.memory_space<hbm>>
      %dma_start3A_146 = tpu.memref_slice %arg3[%add3A_4] : memref<16384xi32, #tpu.memory_space<hbm>> -> memref<64xi32, #tpu.memory_space<hbm>>
      tpu.enqueue_dma source(%dma_start3A_146 : memref<64xi32, #tpu.memory_space<hbm>>) target(%arg5 : memref<64xi32, #tpu.memory_space<vmem>>) target_semaphore(%run_scoped3A : memref<!tpu.dma_semaphore, #tpu.memory_space<semaphore_mem>>)
      %dma_wait3A_147 = tpu.memref_slice %arg3[%add3A_4] : memref<16384xi32, #tpu.memory_space<hbm>> -> memref<64xi32, #tpu.memory_space<hbm>>
      %dma_wait3A_148 = tpu.memref_slice %arg3[%add3A_4] : memref<16384xi32, #tpu.memory_space<hbm>> -> memref<64xi32, #tpu.memory_space<hbm>>
      tpu.wait_dma2 semaphore(%run_scoped3A : memref<!tpu.dma_semaphore, #tpu.memory_space<semaphore_mem>>) src(%dma_wait3A_148 : memref<64xi32, #tpu.memory_space<hbm>>) dst(%arg5 : memref<64xi32, #tpu.memory_space<vmem>>)
      tpu.yield
    }) : () -> ()
    %dma_start3A = arith.constant 0 : i32
    %dma_start3A_5 = arith.constant 0 : i32
    %dma_start3A_6 = tpu.memref_slice %arg2[%dma_start3A, %dma_start3A_5] : memref<3790x384xf32, #tpu.memory_space<hbm>> -> memref<3790x384xf32, #tpu.memory_space<hbm>>
    tpu.enqueue_indirect_dma source(%dma_start3A_6 : memref<3790x384xf32, #tpu.memory_space<hbm>>) target(%arg8 : memref<64x384xf32, #tpu.memory_space<vmem>>) offsets(%arg5 : memref<64xi32, #tpu.memory_space<vmem>>) semaphore(%arg11 : memref<!tpu.dma_semaphore, #tpu.memory_space<semaphore_mem>>)
    %add3A_7 = arith.constant 64 : i32
    %add3A_8 = arith.addi %mul3A_2, %add3A_7 : i32
    "tpu.region"() ({
      %run_scoped3A = tpu.sem_alloc : memref<!tpu.dma_semaphore, #tpu.memory_space<semaphore_mem>>
      %dma_start3A_145 = tpu.memref_slice %arg3[%add3A_8] : memref<16384xi32, #tpu.memory_space<hbm>> -> memref<64xi32, #tpu.memory_space<hbm>>
      %dma_start3A_146 = tpu.memref_slice %arg3[%add3A_8] : memref<16384xi32, #tpu.memory_space<hbm>> -> memref<64xi32, #tpu.memory_space<hbm>>
      tpu.enqueue_dma source(%dma_start3A_146 : memref<64xi32, #tpu.memory_space<hbm>>) target(%arg6 : memref<64xi32, #tpu.memory_space<vmem>>) target_semaphore(%run_scoped3A : memref<!tpu.dma_semaphore, #tpu.memory_space<semaphore_mem>>)
      %dma_wait3A_147 = tpu.memref_slice %arg3[%add3A_8] : memref<16384xi32, #tpu.memory_space<hbm>> -> memref<64xi32, #tpu.memory_space<hbm>>
      %dma_wait3A_148 = tpu.memref_slice %arg3[%add3A_8] : memref<16384xi32, #tpu.memory_space<hbm>> -> memref<64xi32, #tpu.memory_space<hbm>>
      tpu.wait_dma2 semaphore(%run_scoped3A : memref<!tpu.dma_semaphore, #tpu.memory_space<semaphore_mem>>) src(%dma_wait3A_148 : memref<64xi32, #tpu.memory_space<hbm>>) dst(%arg6 : memref<64xi32, #tpu.memory_space<vmem>>)
      tpu.yield
    }) : () -> ()
    %dma_start3A_9 = arith.constant 0 : i32
    %dma_start3A_10 = arith.constant 0 : i32
    %dma_start3A_11 = tpu.memref_slice %arg2[%dma_start3A_9, %dma_start3A_10] : memref<3790x384xf32, #tpu.memory_space<hbm>> -> memref<3790x384xf32, #tpu.memory_space<hbm>>
    tpu.enqueue_indirect_dma source(%dma_start3A_11 : memref<3790x384xf32, #tpu.memory_space<hbm>>) target(%arg9 : memref<64x384xf32, #tpu.memory_space<vmem>>) offsets(%arg6 : memref<64xi32, #tpu.memory_space<vmem>>) semaphore(%arg12 : memref<!tpu.dma_semaphore, #tpu.memory_space<semaphore_mem>>)
    %add3A_12 = arith.constant 128 : i32
    %add3A_13 = arith.addi %mul3A_2, %add3A_12 : i32
    "tpu.region"() ({
      %run_scoped3A = tpu.sem_alloc : memref<!tpu.dma_semaphore, #tpu.memory_space<semaphore_mem>>
      %dma_start3A_145 = tpu.memref_slice %arg3[%add3A_13] : memref<16384xi32, #tpu.memory_space<hbm>> -> memref<64xi32, #tpu.memory_space<hbm>>
      %dma_start3A_146 = tpu.memref_slice %arg3[%add3A_13] : memref<16384xi32, #tpu.memory_space<hbm>> -> memref<64xi32, #tpu.memory_space<hbm>>
      tpu.enqueue_dma source(%dma_start3A_146 : memref<64xi32, #tpu.memory_space<hbm>>) target(%arg7 : memref<64xi32, #tpu.memory_space<vmem>>) target_semaphore(%run_scoped3A : memref<!tpu.dma_semaphore, #tpu.memory_space<semaphore_mem>>)
      %dma_wait3A_147 = tpu.memref_slice %arg3[%add3A_13] : memref<16384xi32, #tpu.memory_space<hbm>> -> memref<64xi32, #tpu.memory_space<hbm>>
      %dma_wait3A_148 = tpu.memref_slice %arg3[%add3A_13] : memref<16384xi32, #tpu.memory_space<hbm>> -> memref<64xi32, #tpu.memory_space<hbm>>
      tpu.wait_dma2 semaphore(%run_scoped3A : memref<!tpu.dma_semaphore, #tpu.memory_space<semaphore_mem>>) src(%dma_wait3A_148 : memref<64xi32, #tpu.memory_space<hbm>>) dst(%arg7 : memref<64xi32, #tpu.memory_space<vmem>>)
      tpu.yield
    }) : () -> ()
    %dma_start3A_14 = arith.constant 0 : i32
    %dma_start3A_15 = arith.constant 0 : i32
    %dma_start3A_16 = tpu.memref_slice %arg2[%dma_start3A_14, %dma_start3A_15] : memref<3790x384xf32, #tpu.memory_space<hbm>> -> memref<3790x384xf32, #tpu.memory_space<hbm>>
    tpu.enqueue_indirect_dma source(%dma_start3A_16 : memref<3790x384xf32, #tpu.memory_space<hbm>>) target(%arg10 : memref<64x384xf32, #tpu.memory_space<vmem>>) offsets(%arg7 : memref<64xi32, #tpu.memory_space<vmem>>) semaphore(%arg13 : memref<!tpu.dma_semaphore, #tpu.memory_space<semaphore_mem>>)
    %dma_wait3A = arith.constant 0 : i32
    %dma_wait3A_17 = arith.constant 0 : i32
    %dma_wait3A_18 = tpu.memref_slice %arg2[%dma_wait3A, %dma_wait3A_17] : memref<3790x384xf32, #tpu.memory_space<hbm>> -> memref<3790x384xf32, #tpu.memory_space<hbm>>
    tpu.wait_indirect_dma semaphore(%arg11 : memref<!tpu.dma_semaphore, #tpu.memory_space<semaphore_mem>>) src(%dma_wait3A_18 : memref<3790x384xf32, #tpu.memory_space<hbm>>) dst(%arg8 : memref<64x384xf32, #tpu.memory_space<vmem>>)
    %add3A_19 = arith.constant 0 : i32
    %add3A_20 = arith.addi %mul3A_2, %add3A_19 : i32
    %dma_start3A_21 = arith.constant 0 : i32
    %dma_start3A_22 = tpu.memref_slice %arg4[%add3A_20, %dma_start3A_21] : memref<16384x384xf32, #tpu.memory_space<hbm>> -> memref<64x384xf32, #tpu.memory_space<hbm>>
    %dma_start3A_23 = arith.constant 0 : i32
    %dma_start3A_24 = tpu.memref_slice %arg4[%add3A_20, %dma_start3A_23] : memref<16384x384xf32, #tpu.memory_space<hbm>> -> memref<64x384xf32, #tpu.memory_space<hbm>>
    tpu.enqueue_dma source(%arg8 : memref<64x384xf32, #tpu.memory_space<vmem>>) target(%dma_start3A_24 : memref<64x384xf32, #tpu.memory_space<hbm>>) target_semaphore(%arg14 : memref<!tpu.dma_semaphore, #tpu.memory_space<semaphore_mem>>)
    %dma_wait3A_25 = arith.constant 0 : i32
    %dma_wait3A_26 = tpu.memref_slice %arg4[%add3A_20, %dma_wait3A_25] : memref<16384x384xf32, #tpu.memory_space<hbm>> -> memref<64x384xf32, #tpu.memory_space<hbm>>
    %dma_wait3A_27 = arith.constant 0 : i32
    %dma_wait3A_28 = tpu.memref_slice %arg4[%add3A_20, %dma_wait3A_27] : memref<16384x384xf32, #tpu.memory_space<hbm>> -> memref<64x384xf32, #tpu.memory_space<hbm>>
    tpu.wait_dma2 semaphore(%arg14 : memref<!tpu.dma_semaphore, #tpu.memory_space<semaphore_mem>>) src(%arg8 : memref<64x384xf32, #tpu.memory_space<vmem>>) dst(%dma_wait3A_28 : memref<64x384xf32, #tpu.memory_space<hbm>>)
    %add3A_29 = arith.constant 192 : i32
    %add3A_30 = arith.addi %mul3A_2, %add3A_29 : i32
    "tpu.region"() ({
      %run_scoped3A = tpu.sem_alloc : memref<!tpu.dma_semaphore, #tpu.memory_space<semaphore_mem>>
      %dma_start3A_145 = tpu.memref_slice %arg3[%add3A_30] : memref<16384xi32, #tpu.memory_space<hbm>> -> memref<64xi32, #tpu.memory_space<hbm>>
      %dma_start3A_146 = tpu.memref_slice %arg3[%add3A_30] : memref<16384xi32, #tpu.memory_space<hbm>> -> memref<64xi32, #tpu.memory_space<hbm>>
      tpu.enqueue_dma source(%dma_start3A_146 : memref<64xi32, #tpu.memory_space<hbm>>) target(%arg5 : memref<64xi32, #tpu.memory_space<vmem>>) target_semaphore(%run_scoped3A : memref<!tpu.dma_semaphore, #tpu.memory_space<semaphore_mem>>)
      %dma_wait3A_147 = tpu.memref_slice %arg3[%add3A_30] : memref<16384xi32, #tpu.memory_space<hbm>> -> memref<64xi32, #tpu.memory_space<hbm>>
      %dma_wait3A_148 = tpu.memref_slice %arg3[%add3A_30] : memref<16384xi32, #tpu.memory_space<hbm>> -> memref<64xi32, #tpu.memory_space<hbm>>
      tpu.wait_dma2 semaphore(%run_scoped3A : memref<!tpu.dma_semaphore, #tpu.memory_space<semaphore_mem>>) src(%dma_wait3A_148 : memref<64xi32, #tpu.memory_space<hbm>>) dst(%arg5 : memref<64xi32, #tpu.memory_space<vmem>>)
      tpu.yield
    }) : () -> ()
    %dma_start3A_31 = arith.constant 0 : i32
    %dma_start3A_32 = arith.constant 0 : i32
    %dma_start3A_33 = tpu.memref_slice %arg2[%dma_start3A_31, %dma_start3A_32] : memref<3790x384xf32, #tpu.memory_space<hbm>> -> memref<3790x384xf32, #tpu.memory_space<hbm>>
    tpu.enqueue_indirect_dma source(%dma_start3A_33 : memref<3790x384xf32, #tpu.memory_space<hbm>>) target(%arg8 : memref<64x384xf32, #tpu.memory_space<vmem>>) offsets(%arg5 : memref<64xi32, #tpu.memory_space<vmem>>) semaphore(%arg11 : memref<!tpu.dma_semaphore, #tpu.memory_space<semaphore_mem>>)
    %dma_wait3A_34 = arith.constant 0 : i32
    %dma_wait3A_35 = arith.constant 0 : i32
    %dma_wait3A_36 = tpu.memref_slice %arg2[%dma_wait3A_34, %dma_wait3A_35] : memref<3790x384xf32, #tpu.memory_space<hbm>> -> memref<3790x384xf32, #tpu.memory_space<hbm>>
    tpu.wait_indirect_dma semaphore(%arg12 : memref<!tpu.dma_semaphore, #tpu.memory_space<semaphore_mem>>) src(%dma_wait3A_36 : memref<3790x384xf32, #tpu.memory_space<hbm>>) dst(%arg9 : memref<64x384xf32, #tpu.memory_space<vmem>>)
    %add3A_37 = arith.constant 64 : i32
    %add3A_38 = arith.addi %mul3A_2, %add3A_37 : i32
    %dma_start3A_39 = arith.constant 0 : i32
    %dma_start3A_40 = tpu.memref_slice %arg4[%add3A_38, %dma_start3A_39] : memref<16384x384xf32, #tpu.memory_space<hbm>> -> memref<64x384xf32, #tpu.memory_space<hbm>>
    %dma_start3A_41 = arith.constant 0 : i32
    %dma_start3A_42 = tpu.memref_slice %arg4[%add3A_38, %dma_start3A_41] : memref<16384x384xf32, #tpu.memory_space<hbm>> -> memref<64x384xf32, #tpu.memory_space<hbm>>
    tpu.enqueue_dma source(%arg9 : memref<64x384xf32, #tpu.memory_space<vmem>>) target(%dma_start3A_42 : memref<64x384xf32, #tpu.memory_space<hbm>>) target_semaphore(%arg15 : memref<!tpu.dma_semaphore, #tpu.memory_space<semaphore_mem>>)
    %dma_wait3A_43 = arith.constant 0 : i32
    %dma_wait3A_44 = tpu.memref_slice %arg4[%add3A_38, %dma_wait3A_43] : memref<16384x384xf32, #tpu.memory_space<hbm>> -> memref<64x384xf32, #tpu.memory_space<hbm>>
    %dma_wait3A_45 = arith.constant 0 : i32
    %dma_wait3A_46 = tpu.memref_slice %arg4[%add3A_38, %dma_wait3A_45] : memref<16384x384xf32, #tpu.memory_space<hbm>> -> memref<64x384xf32, #tpu.memory_space<hbm>>
    tpu.wait_dma2 semaphore(%arg15 : memref<!tpu.dma_semaphore, #tpu.memory_space<semaphore_mem>>) src(%arg9 : memref<64x384xf32, #tpu.memory_space<vmem>>) dst(%dma_wait3A_46 : memref<64x384xf32, #tpu.memory_space<hbm>>)
    %add3A_47 = arith.constant 256 : i32
    %add3A_48 = arith.addi %mul3A_2, %add3A_47 : i32
    "tpu.region"() ({
      %run_scoped3A = tpu.sem_alloc : memref<!tpu.dma_semaphore, #tpu.memory_space<semaphore_mem>>
      %dma_start3A_145 = tpu.memref_slice %arg3[%add3A_48] : memref<16384xi32, #tpu.memory_space<hbm>> -> memref<64xi32, #tpu.memory_space<hbm>>
      %dma_start3A_146 = tpu.memref_slice %arg3[%add3A_48] : memref<16384xi32, #tpu.memory_space<hbm>> -> memref<64xi32, #tpu.memory_space<hbm>>
      tpu.enqueue_dma source(%dma_start3A_146 : memref<64xi32, #tpu.memory_space<hbm>>) target(%arg6 : memref<64xi32, #tpu.memory_space<vmem>>) target_semaphore(%run_scoped3A : memref<!tpu.dma_semaphore, #tpu.memory_space<semaphore_mem>>)
      %dma_wait3A_147 = tpu.memref_slice %arg3[%add3A_48] : memref<16384xi32, #tpu.memory_space<hbm>> -> memref<64xi32, #tpu.memory_space<hbm>>
      %dma_wait3A_148 = tpu.memref_slice %arg3[%add3A_48] : memref<16384xi32, #tpu.memory_space<hbm>> -> memref<64xi32, #tpu.memory_space<hbm>>
      tpu.wait_dma2 semaphore(%run_scoped3A : memref<!tpu.dma_semaphore, #tpu.memory_space<semaphore_mem>>) src(%dma_wait3A_148 : memref<64xi32, #tpu.memory_space<hbm>>) dst(%arg6 : memref<64xi32, #tpu.memory_space<vmem>>)
      tpu.yield
    }) : () -> ()
    %dma_start3A_49 = arith.constant 0 : i32
    %dma_start3A_50 = arith.constant 0 : i32
    %dma_start3A_51 = tpu.memref_slice %arg2[%dma_start3A_49, %dma_start3A_50] : memref<3790x384xf32, #tpu.memory_space<hbm>> -> memref<3790x384xf32, #tpu.memory_space<hbm>>
    tpu.enqueue_indirect_dma source(%dma_start3A_51 : memref<3790x384xf32, #tpu.memory_space<hbm>>) target(%arg9 : memref<64x384xf32, #tpu.memory_space<vmem>>) offsets(%arg6 : memref<64xi32, #tpu.memory_space<vmem>>) semaphore(%arg12 : memref<!tpu.dma_semaphore, #tpu.memory_space<semaphore_mem>>)
    %dma_wait3A_52 = arith.constant 0 : i32
    %dma_wait3A_53 = arith.constant 0 : i32
    %dma_wait3A_54 = tpu.memref_slice %arg2[%dma_wait3A_52, %dma_wait3A_53] : memref<3790x384xf32, #tpu.memory_space<hbm>> -> memref<3790x384xf32, #tpu.memory_space<hbm>>
    tpu.wait_indirect_dma semaphore(%arg13 : memref<!tpu.dma_semaphore, #tpu.memory_space<semaphore_mem>>) src(%dma_wait3A_54 : memref<3790x384xf32, #tpu.memory_space<hbm>>) dst(%arg10 : memref<64x384xf32, #tpu.memory_space<vmem>>)
    %add3A_55 = arith.constant 128 : i32
    %add3A_56 = arith.addi %mul3A_2, %add3A_55 : i32
    %dma_start3A_57 = arith.constant 0 : i32
    %dma_start3A_58 = tpu.memref_slice %arg4[%add3A_56, %dma_start3A_57] : memref<16384x384xf32, #tpu.memory_space<hbm>> -> memref<64x384xf32, #tpu.memory_space<hbm>>
    %dma_start3A_59 = arith.constant 0 : i32
    %dma_start3A_60 = tpu.memref_slice %arg4[%add3A_56, %dma_start3A_59] : memref<16384x384xf32, #tpu.memory_space<hbm>> -> memref<64x384xf32, #tpu.memory_space<hbm>>
    tpu.enqueue_dma source(%arg10 : memref<64x384xf32, #tpu.memory_space<vmem>>) target(%dma_start3A_60 : memref<64x384xf32, #tpu.memory_space<hbm>>) target_semaphore(%arg16 : memref<!tpu.dma_semaphore, #tpu.memory_space<semaphore_mem>>)
    %dma_wait3A_61 = arith.constant 0 : i32
    %dma_wait3A_62 = tpu.memref_slice %arg4[%add3A_56, %dma_wait3A_61] : memref<16384x384xf32, #tpu.memory_space<hbm>> -> memref<64x384xf32, #tpu.memory_space<hbm>>
    %dma_wait3A_63 = arith.constant 0 : i32
    %dma_wait3A_64 = tpu.memref_slice %arg4[%add3A_56, %dma_wait3A_63] : memref<16384x384xf32, #tpu.memory_space<hbm>> -> memref<64x384xf32, #tpu.memory_space<hbm>>
    tpu.wait_dma2 semaphore(%arg16 : memref<!tpu.dma_semaphore, #tpu.memory_space<semaphore_mem>>) src(%arg10 : memref<64x384xf32, #tpu.memory_space<vmem>>) dst(%dma_wait3A_64 : memref<64x384xf32, #tpu.memory_space<hbm>>)
    %add3A_65 = arith.constant 320 : i32
    %add3A_66 = arith.addi %mul3A_2, %add3A_65 : i32
    "tpu.region"() ({
      %run_scoped3A = tpu.sem_alloc : memref<!tpu.dma_semaphore, #tpu.memory_space<semaphore_mem>>
      %dma_start3A_145 = tpu.memref_slice %arg3[%add3A_66] : memref<16384xi32, #tpu.memory_space<hbm>> -> memref<64xi32, #tpu.memory_space<hbm>>
      %dma_start3A_146 = tpu.memref_slice %arg3[%add3A_66] : memref<16384xi32, #tpu.memory_space<hbm>> -> memref<64xi32, #tpu.memory_space<hbm>>
      tpu.enqueue_dma source(%dma_start3A_146 : memref<64xi32, #tpu.memory_space<hbm>>) target(%arg7 : memref<64xi32, #tpu.memory_space<vmem>>) target_semaphore(%run_scoped3A : memref<!tpu.dma_semaphore, #tpu.memory_space<semaphore_mem>>)
      %dma_wait3A_147 = tpu.memref_slice %arg3[%add3A_66] : memref<16384xi32, #tpu.memory_space<hbm>> -> memref<64xi32, #tpu.memory_space<hbm>>
      %dma_wait3A_148 = tpu.memref_slice %arg3[%add3A_66] : memref<16384xi32, #tpu.memory_space<hbm>> -> memref<64xi32, #tpu.memory_space<hbm>>
      tpu.wait_dma2 semaphore(%run_scoped3A : memref<!tpu.dma_semaphore, #tpu.memory_space<semaphore_mem>>) src(%dma_wait3A_148 : memref<64xi32, #tpu.memory_space<hbm>>) dst(%arg7 : memref<64xi32, #tpu.memory_space<vmem>>)
      tpu.yield
    }) : () -> ()
    %dma_start3A_67 = arith.constant 0 : i32
    %dma_start3A_68 = arith.constant 0 : i32
    %dma_start3A_69 = tpu.memref_slice %arg2[%dma_start3A_67, %dma_start3A_68] : memref<3790x384xf32, #tpu.memory_space<hbm>> -> memref<3790x384xf32, #tpu.memory_space<hbm>>
    tpu.enqueue_indirect_dma source(%dma_start3A_69 : memref<3790x384xf32, #tpu.memory_space<hbm>>) target(%arg10 : memref<64x384xf32, #tpu.memory_space<vmem>>) offsets(%arg7 : memref<64xi32, #tpu.memory_space<vmem>>) semaphore(%arg13 : memref<!tpu.dma_semaphore, #tpu.memory_space<semaphore_mem>>)
    %dma_wait3A_70 = arith.constant 0 : i32
    %dma_wait3A_71 = arith.constant 0 : i32
    %dma_wait3A_72 = tpu.memref_slice %arg2[%dma_wait3A_70, %dma_wait3A_71] : memref<3790x384xf32, #tpu.memory_space<hbm>> -> memref<3790x384xf32, #tpu.memory_space<hbm>>
    tpu.wait_indirect_dma semaphore(%arg11 : memref<!tpu.dma_semaphore, #tpu.memory_space<semaphore_mem>>) src(%dma_wait3A_72 : memref<3790x384xf32, #tpu.memory_space<hbm>>) dst(%arg8 : memref<64x384xf32, #tpu.memory_space<vmem>>)
    %add3A_73 = arith.constant 192 : i32
    %add3A_74 = arith.addi %mul3A_2, %add3A_73 : i32
    %dma_start3A_75 = arith.constant 0 : i32
    %dma_start3A_76 = tpu.memref_slice %arg4[%add3A_74, %dma_start3A_75] : memref<16384x384xf32, #tpu.memory_space<hbm>> -> memref<64x384xf32, #tpu.memory_space<hbm>>
    %dma_start3A_77 = arith.constant 0 : i32
    %dma_start3A_78 = tpu.memref_slice %arg4[%add3A_74, %dma_start3A_77] : memref<16384x384xf32, #tpu.memory_space<hbm>> -> memref<64x384xf32, #tpu.memory_space<hbm>>
    tpu.enqueue_dma source(%arg8 : memref<64x384xf32, #tpu.memory_space<vmem>>) target(%dma_start3A_78 : memref<64x384xf32, #tpu.memory_space<hbm>>) target_semaphore(%arg14 : memref<!tpu.dma_semaphore, #tpu.memory_space<semaphore_mem>>)
    %dma_wait3A_79 = arith.constant 0 : i32
    %dma_wait3A_80 = tpu.memref_slice %arg4[%add3A_74, %dma_wait3A_79] : memref<16384x384xf32, #tpu.memory_space<hbm>> -> memref<64x384xf32, #tpu.memory_space<hbm>>
    %dma_wait3A_81 = arith.constant 0 : i32
    %dma_wait3A_82 = tpu.memref_slice %arg4[%add3A_74, %dma_wait3A_81] : memref<16384x384xf32, #tpu.memory_space<hbm>> -> memref<64x384xf32, #tpu.memory_space<hbm>>
    tpu.wait_dma2 semaphore(%arg14 : memref<!tpu.dma_semaphore, #tpu.memory_space<semaphore_mem>>) src(%arg8 : memref<64x384xf32, #tpu.memory_space<vmem>>) dst(%dma_wait3A_82 : memref<64x384xf32, #tpu.memory_space<hbm>>)
    %add3A_83 = arith.constant 384 : i32
    %add3A_84 = arith.addi %mul3A_2, %add3A_83 : i32
    "tpu.region"() ({
      %run_scoped3A = tpu.sem_alloc : memref<!tpu.dma_semaphore, #tpu.memory_space<semaphore_mem>>
      %dma_start3A_145 = tpu.memref_slice %arg3[%add3A_84] : memref<16384xi32, #tpu.memory_space<hbm>> -> memref<64xi32, #tpu.memory_space<hbm>>
      %dma_start3A_146 = tpu.memref_slice %arg3[%add3A_84] : memref<16384xi32, #tpu.memory_space<hbm>> -> memref<64xi32, #tpu.memory_space<hbm>>
      tpu.enqueue_dma source(%dma_start3A_146 : memref<64xi32, #tpu.memory_space<hbm>>) target(%arg5 : memref<64xi32, #tpu.memory_space<vmem>>) target_semaphore(%run_scoped3A : memref<!tpu.dma_semaphore, #tpu.memory_space<semaphore_mem>>)
      %dma_wait3A_147 = tpu.memref_slice %arg3[%add3A_84] : memref<16384xi32, #tpu.memory_space<hbm>> -> memref<64xi32, #tpu.memory_space<hbm>>
      %dma_wait3A_148 = tpu.memref_slice %arg3[%add3A_84] : memref<16384xi32, #tpu.memory_space<hbm>> -> memref<64xi32, #tpu.memory_space<hbm>>
      tpu.wait_dma2 semaphore(%run_scoped3A : memref<!tpu.dma_semaphore, #tpu.memory_space<semaphore_mem>>) src(%dma_wait3A_148 : memref<64xi32, #tpu.memory_space<hbm>>) dst(%arg5 : memref<64xi32, #tpu.memory_space<vmem>>)
      tpu.yield
    }) : () -> ()
    %dma_start3A_85 = arith.constant 0 : i32
    %dma_start3A_86 = arith.constant 0 : i32
    %dma_start3A_87 = tpu.memref_slice %arg2[%dma_start3A_85, %dma_start3A_86] : memref<3790x384xf32, #tpu.memory_space<hbm>> -> memref<3790x384xf32, #tpu.memory_space<hbm>>
    tpu.enqueue_indirect_dma source(%dma_start3A_87 : memref<3790x384xf32, #tpu.memory_space<hbm>>) target(%arg8 : memref<64x384xf32, #tpu.memory_space<vmem>>) offsets(%arg5 : memref<64xi32, #tpu.memory_space<vmem>>) semaphore(%arg11 : memref<!tpu.dma_semaphore, #tpu.memory_space<semaphore_mem>>)
    %dma_wait3A_88 = arith.constant 0 : i32
    %dma_wait3A_89 = arith.constant 0 : i32
    %dma_wait3A_90 = tpu.memref_slice %arg2[%dma_wait3A_88, %dma_wait3A_89] : memref<3790x384xf32, #tpu.memory_space<hbm>> -> memref<3790x384xf32, #tpu.memory_space<hbm>>
    tpu.wait_indirect_dma semaphore(%arg12 : memref<!tpu.dma_semaphore, #tpu.memory_space<semaphore_mem>>) src(%dma_wait3A_90 : memref<3790x384xf32, #tpu.memory_space<hbm>>) dst(%arg9 : memref<64x384xf32, #tpu.memory_space<vmem>>)
    %add3A_91 = arith.constant 256 : i32
    %add3A_92 = arith.addi %mul3A_2, %add3A_91 : i32
    %dma_start3A_93 = arith.constant 0 : i32
    %dma_start3A_94 = tpu.memref_slice %arg4[%add3A_92, %dma_start3A_93] : memref<16384x384xf32, #tpu.memory_space<hbm>> -> memref<64x384xf32, #tpu.memory_space<hbm>>
    %dma_start3A_95 = arith.constant 0 : i32
    %dma_start3A_96 = tpu.memref_slice %arg4[%add3A_92, %dma_start3A_95] : memref<16384x384xf32, #tpu.memory_space<hbm>> -> memref<64x384xf32, #tpu.memory_space<hbm>>
    tpu.enqueue_dma source(%arg9 : memref<64x384xf32, #tpu.memory_space<vmem>>) target(%dma_start3A_96 : memref<64x384xf32, #tpu.memory_space<hbm>>) target_semaphore(%arg15 : memref<!tpu.dma_semaphore, #tpu.memory_space<semaphore_mem>>)
    %dma_wait3A_97 = arith.constant 0 : i32
    %dma_wait3A_98 = tpu.memref_slice %arg4[%add3A_92, %dma_wait3A_97] : memref<16384x384xf32, #tpu.memory_space<hbm>> -> memref<64x384xf32, #tpu.memory_space<hbm>>
    %dma_wait3A_99 = arith.constant 0 : i32
    %dma_wait3A_100 = tpu.memref_slice %arg4[%add3A_92, %dma_wait3A_99] : memref<16384x384xf32, #tpu.memory_space<hbm>> -> memref<64x384xf32, #tpu.memory_space<hbm>>
    tpu.wait_dma2 semaphore(%arg15 : memref<!tpu.dma_semaphore, #tpu.memory_space<semaphore_mem>>) src(%arg9 : memref<64x384xf32, #tpu.memory_space<vmem>>) dst(%dma_wait3A_100 : memref<64x384xf32, #tpu.memory_space<hbm>>)
    %add3A_101 = arith.constant 448 : i32
    %add3A_102 = arith.addi %mul3A_2, %add3A_101 : i32
    "tpu.region"() ({
      %run_scoped3A = tpu.sem_alloc : memref<!tpu.dma_semaphore, #tpu.memory_space<semaphore_mem>>
      %dma_start3A_145 = tpu.memref_slice %arg3[%add3A_102] : memref<16384xi32, #tpu.memory_space<hbm>> -> memref<64xi32, #tpu.memory_space<hbm>>
      %dma_start3A_146 = tpu.memref_slice %arg3[%add3A_102] : memref<16384xi32, #tpu.memory_space<hbm>> -> memref<64xi32, #tpu.memory_space<hbm>>
      tpu.enqueue_dma source(%dma_start3A_146 : memref<64xi32, #tpu.memory_space<hbm>>) target(%arg6 : memref<64xi32, #tpu.memory_space<vmem>>) target_semaphore(%run_scoped3A : memref<!tpu.dma_semaphore, #tpu.memory_space<semaphore_mem>>)
      %dma_wait3A_147 = tpu.memref_slice %arg3[%add3A_102] : memref<16384xi32, #tpu.memory_space<hbm>> -> memref<64xi32, #tpu.memory_space<hbm>>
      %dma_wait3A_148 = tpu.memref_slice %arg3[%add3A_102] : memref<16384xi32, #tpu.memory_space<hbm>> -> memref<64xi32, #tpu.memory_space<hbm>>
      tpu.wait_dma2 semaphore(%run_scoped3A : memref<!tpu.dma_semaphore, #tpu.memory_space<semaphore_mem>>) src(%dma_wait3A_148 : memref<64xi32, #tpu.memory_space<hbm>>) dst(%arg6 : memref<64xi32, #tpu.memory_space<vmem>>)
      tpu.yield
    }) : () -> ()
    %dma_start3A_103 = arith.constant 0 : i32
    %dma_start3A_104 = arith.constant 0 : i32
    %dma_start3A_105 = tpu.memref_slice %arg2[%dma_start3A_103, %dma_start3A_104] : memref<3790x384xf32, #tpu.memory_space<hbm>> -> memref<3790x384xf32, #tpu.memory_space<hbm>>
    tpu.enqueue_indirect_dma source(%dma_start3A_105 : memref<3790x384xf32, #tpu.memory_space<hbm>>) target(%arg9 : memref<64x384xf32, #tpu.memory_space<vmem>>) offsets(%arg6 : memref<64xi32, #tpu.memory_space<vmem>>) semaphore(%arg12 : memref<!tpu.dma_semaphore, #tpu.memory_space<semaphore_mem>>)
    %dma_wait3A_106 = arith.constant 0 : i32
    %dma_wait3A_107 = arith.constant 0 : i32
    %dma_wait3A_108 = tpu.memref_slice %arg2[%dma_wait3A_106, %dma_wait3A_107] : memref<3790x384xf32, #tpu.memory_space<hbm>> -> memref<3790x384xf32, #tpu.memory_space<hbm>>
    tpu.wait_indirect_dma semaphore(%arg13 : memref<!tpu.dma_semaphore, #tpu.memory_space<semaphore_mem>>) src(%dma_wait3A_108 : memref<3790x384xf32, #tpu.memory_space<hbm>>) dst(%arg10 : memref<64x384xf32, #tpu.memory_space<vmem>>)
    %add3A_109 = arith.constant 320 : i32
    %add3A_110 = arith.addi %mul3A_2, %add3A_109 : i32
    %dma_start3A_111 = arith.constant 0 : i32
    %dma_start3A_112 = tpu.memref_slice %arg4[%add3A_110, %dma_start3A_111] : memref<16384x384xf32, #tpu.memory_space<hbm>> -> memref<64x384xf32, #tpu.memory_space<hbm>>
    %dma_start3A_113 = arith.constant 0 : i32
    %dma_start3A_114 = tpu.memref_slice %arg4[%add3A_110, %dma_start3A_113] : memref<16384x384xf32, #tpu.memory_space<hbm>> -> memref<64x384xf32, #tpu.memory_space<hbm>>
    tpu.enqueue_dma source(%arg10 : memref<64x384xf32, #tpu.memory_space<vmem>>) target(%dma_start3A_114 : memref<64x384xf32, #tpu.memory_space<hbm>>) target_semaphore(%arg16 : memref<!tpu.dma_semaphore, #tpu.memory_space<semaphore_mem>>)
    %dma_wait3A_115 = arith.constant 0 : i32
    %dma_wait3A_116 = arith.constant 0 : i32
    %dma_wait3A_117 = tpu.memref_slice %arg2[%dma_wait3A_115, %dma_wait3A_116] : memref<3790x384xf32, #tpu.memory_space<hbm>> -> memref<3790x384xf32, #tpu.memory_space<hbm>>
    tpu.wait_indirect_dma semaphore(%arg11 : memref<!tpu.dma_semaphore, #tpu.memory_space<semaphore_mem>>) src(%dma_wait3A_117 : memref<3790x384xf32, #tpu.memory_space<hbm>>) dst(%arg8 : memref<64x384xf32, #tpu.memory_space<vmem>>)
    %add3A_118 = arith.constant 384 : i32
    %add3A_119 = arith.addi %mul3A_2, %add3A_118 : i32
    %dma_start3A_120 = arith.constant 0 : i32
    %dma_start3A_121 = tpu.memref_slice %arg4[%add3A_119, %dma_start3A_120] : memref<16384x384xf32, #tpu.memory_space<hbm>> -> memref<64x384xf32, #tpu.memory_space<hbm>>
    %dma_start3A_122 = arith.constant 0 : i32
    %dma_start3A_123 = tpu.memref_slice %arg4[%add3A_119, %dma_start3A_122] : memref<16384x384xf32, #tpu.memory_space<hbm>> -> memref<64x384xf32, #tpu.memory_space<hbm>>
    tpu.enqueue_dma source(%arg8 : memref<64x384xf32, #tpu.memory_space<vmem>>) target(%dma_start3A_123 : memref<64x384xf32, #tpu.memory_space<hbm>>) target_semaphore(%arg14 : memref<!tpu.dma_semaphore, #tpu.memory_space<semaphore_mem>>)
    %dma_wait3A_124 = arith.constant 0 : i32
    %dma_wait3A_125 = arith.constant 0 : i32
    %dma_wait3A_126 = tpu.memref_slice %arg2[%dma_wait3A_124, %dma_wait3A_125] : memref<3790x384xf32, #tpu.memory_space<hbm>> -> memref<3790x384xf32, #tpu.memory_space<hbm>>
    tpu.wait_indirect_dma semaphore(%arg12 : memref<!tpu.dma_semaphore, #tpu.memory_space<semaphore_mem>>) src(%dma_wait3A_126 : memref<3790x384xf32, #tpu.memory_space<hbm>>) dst(%arg9 : memref<64x384xf32, #tpu.memory_space<vmem>>)
    %add3A_127 = arith.constant 448 : i32
    %add3A_128 = arith.addi %mul3A_2, %add3A_127 : i32
    %dma_start3A_129 = arith.constant 0 : i32
    %dma_start3A_130 = tpu.memref_slice %arg4[%add3A_128, %dma_start3A_129] : memref<16384x384xf32, #tpu.memory_space<hbm>> -> memref<64x384xf32, #tpu.memory_space<hbm>>
    %dma_start3A_131 = arith.constant 0 : i32
    %dma_start3A_132 = tpu.memref_slice %arg4[%add3A_128, %dma_start3A_131] : memref<16384x384xf32, #tpu.memory_space<hbm>> -> memref<64x384xf32, #tpu.memory_space<hbm>>
    tpu.enqueue_dma source(%arg9 : memref<64x384xf32, #tpu.memory_space<vmem>>) target(%dma_start3A_132 : memref<64x384xf32, #tpu.memory_space<hbm>>) target_semaphore(%arg15 : memref<!tpu.dma_semaphore, #tpu.memory_space<semaphore_mem>>)
    %dma_wait3A_133 = arith.constant 0 : i32
    %dma_wait3A_134 = tpu.memref_slice %arg4[%add3A_119, %dma_wait3A_133] : memref<16384x384xf32, #tpu.memory_space<hbm>> -> memref<64x384xf32, #tpu.memory_space<hbm>>
    %dma_wait3A_135 = arith.constant 0 : i32
    %dma_wait3A_136 = tpu.memref_slice %arg4[%add3A_119, %dma_wait3A_135] : memref<16384x384xf32, #tpu.memory_space<hbm>> -> memref<64x384xf32, #tpu.memory_space<hbm>>
    tpu.wait_dma2 semaphore(%arg14 : memref<!tpu.dma_semaphore, #tpu.memory_space<semaphore_mem>>) src(%arg8 : memref<64x384xf32, #tpu.memory_space<vmem>>) dst(%dma_wait3A_136 : memref<64x384xf32, #tpu.memory_space<hbm>>)
    %dma_wait3A_137 = arith.constant 0 : i32
    %dma_wait3A_138 = tpu.memref_slice %arg4[%add3A_128, %dma_wait3A_137] : memref<16384x384xf32, #tpu.memory_space<hbm>> -> memref<64x384xf32, #tpu.memory_space<hbm>>
    %dma_wait3A_139 = arith.constant 0 : i32
    %dma_wait3A_140 = tpu.memref_slice %arg4[%add3A_128, %dma_wait3A_139] : memref<16384x384xf32, #tpu.memory_space<hbm>> -> memref<64x384xf32, #tpu.memory_space<hbm>>
    tpu.wait_dma2 semaphore(%arg15 : memref<!tpu.dma_semaphore, #tpu.memory_space<semaphore_mem>>) src(%arg9 : memref<64x384xf32, #tpu.memory_space<vmem>>) dst(%dma_wait3A_140 : memref<64x384xf32, #tpu.memory_space<hbm>>)
    %dma_wait3A_141 = arith.constant 0 : i32
    %dma_wait3A_142 = tpu.memref_slice %arg4[%add3A_110, %dma_wait3A_141] : memref<16384x384xf32, #tpu.memory_space<hbm>> -> memref<64x384xf32, #tpu.memory_space<hbm>>
    %dma_wait3A_143 = arith.constant 0 : i32
    %dma_wait3A_144 = tpu.memref_slice %arg4[%add3A_110, %dma_wait3A_143] : memref<16384x384xf32, #tpu.memory_space<hbm>> -> memref<64x384xf32, #tpu.memory_space<hbm>>
    tpu.wait_dma2 semaphore(%arg16 : memref<!tpu.dma_semaphore, #tpu.memory_space<semaphore_mem>>) src(%arg10 : memref<64x384xf32, #tpu.memory_space<vmem>>) dst(%dma_wait3A_144 : memref<64x384xf32, #tpu.memory_space<hbm>>)
    return
  }
}

module attributes {stable_mosaic.version = 14 : i64} {
  func.func @_prep_body(%arg0: i32, %arg1: memref<197x1024xf32, #tpu.memory_space<vmem>>, %arg2: memref<197x1024xf32, #tpu.memory_space<vmem>>, %arg3: memref<1x1024xf32, #tpu.memory_space<vmem>>, %arg4: memref<197x190xf32, #tpu.memory_space<vmem>>, %arg5: memref<1024x384xf32, #tpu.memory_space<vmem>>, %arg6: memref<197x190xf32, #tpu.memory_space<vmem>>) attributes {dimension_semantics = [#tpu.dimension_semantics<arbitrary>], iteration_bounds = array<i64: 4>, scalar_prefetch = 0 : i64, scratch_operands = 0 : i64, tpu.core_type = #tpu.core_type<tc>, window_params = [{transform_indices = @transform_0, window_bounds = array<i64: 197, 1024>}, {transform_indices = @transform_1, window_bounds = array<i64: 197, 1024>}, {transform_indices = @transform_2, window_bounds = array<i64: 1, 1024>}, {pipeline_mode = #tpu.pipeline_mode<synchronous>, transform_indices = @transform_3, window_bounds = array<i64: 197, 190>}, {transform_indices = @transform_4, window_bounds = array<i64: 1024, 384>}, {pipeline_mode = #tpu.pipeline_mode<synchronous>, transform_indices = @transform_5, window_bounds = array<i64: 197, 190>}]} {
    %get3A = arith.constant 0 : index
    %get3A_0 = arith.constant 0 : index
    %get3A_1 = vector.load %arg2[%get3A, %get3A_0] : memref<197x1024xf32, #tpu.memory_space<vmem>>, vector<197x1024xf32>
    %transpose3A = tpu.transpose %get3A_1, [1, 0] : vector<197x1024xf32> -> vector<1024x197xf32>
    %swap3A = arith.constant 0 : index
    %swap3A_2 = arith.constant 0 : index
    %swap3A_3 = vector.load %arg5[%swap3A, %swap3A_2] : memref<1024x384xf32, #tpu.memory_space<vmem>>, vector<1024x197xf32>
    tpu.vector_store %arg5[%swap3A, %swap3A_2], %transpose3A {strides = array<i32>} : memref<1024x384xf32, #tpu.memory_space<vmem>>, vector<1024x197xf32>,
    %get3A_4 = arith.constant 0 : index
    %get3A_5 = arith.constant 0 : index
    %get3A_6 = vector.load %arg1[%get3A_4, %get3A_5] : memref<197x1024xf32, #tpu.memory_space<vmem>>, vector<197x1024xf32>
    %mul3A = arith.constant 5.000000e-01 : f32
    %mul3A_7 = vector.broadcast %mul3A : f32 to vector<197x1024xf32>
    %mul3A_8 = arith.mulf %mul3A_7, %get3A_6 : vector<197x1024xf32>
    %tanh3A = math.tanh %mul3A_8 : vector<197x1024xf32>
    %mul3A_9 = arith.constant 5.000000e-01 : f32
    %mul3A_10 = vector.broadcast %mul3A_9 : f32 to vector<197x1024xf32>
    %mul3A_11 = arith.mulf %mul3A_10, %tanh3A : vector<197x1024xf32>
    %add3A = arith.constant 5.000000e-01 : f32
    %add3A_12 = vector.broadcast %add3A : f32 to vector<197x1024xf32>
    %add3A_13 = arith.addf %mul3A_11, %add3A_12 : vector<197x1024xf32>
    %transpose3A_14 = tpu.transpose %add3A_13, [1, 0] : vector<197x1024xf32> -> vector<1024x197xf32>
    %convert_element_type3A = arith.truncf %transpose3A_14 : vector<1024x197xf32> to vector<1024x197xbf16>
    %broadcast_in_dim3A = arith.constant 0.000000e+00 : bf16
    %broadcast_in_dim3A_15 = vector.broadcast %broadcast_in_dim3A : bf16 to vector<1024x1xbf16>
    %concatenate3A = tpu.concatenate %convert_element_type3A, %broadcast_in_dim3A_15 in 1 : vector<1024x197xbf16>, vector<1024x1xbf16> -> vector<1024x198xbf16>
    %bitcast_convert_type3A = tpu.bitcast %concatenate3A : vector<1024x198xbf16> -> vector<1024x198xi16>
    %convert_element_type3A_16 = arith.extui %bitcast_convert_type3A : vector<1024x198xi16> to vector<1024x198xi32>
    %slice3A = vector.extract_strided_slice %convert_element_type3A_16 {offsets = [0, 0], sizes = [1024, 99], strides = [1, 1]} : vector<1024x198xi32> to vector<1024x99xi32>
    %slice3A_17 = vector.extract_strided_slice %convert_element_type3A_16 {offsets = [0, 99], sizes = [1024, 99], strides = [1, 1]} : vector<1024x198xi32> to vector<1024x99xi32>
    %shift_left3A = arith.constant 16 : i32
    %shift_left3A_18 = vector.broadcast %shift_left3A : i32 to vector<1024x99xi32>
    %shift_left3A_19 = arith.shli %slice3A_17, %shift_left3A_18 : vector<1024x99xi32>
    %or3A = arith.ori %slice3A, %shift_left3A_19 : vector<1024x99xi32>
    %bitcast_convert_type3A_20 = tpu.bitcast %or3A : vector<1024x99xi32> -> vector<1024x99xf32>
    %swap3A_21 = arith.constant 0 : index
    %swap3A_22 = arith.constant 200 : index
    %swap3A_23 = vector.load %arg5[%swap3A_21, %swap3A_22] : memref<1024x384xf32, #tpu.memory_space<vmem>>, vector<1024x99xf32>
    tpu.vector_store %arg5[%swap3A_21, %swap3A_22], %bitcast_convert_type3A_20 {strides = array<i32>} : memref<1024x384xf32, #tpu.memory_space<vmem>>, vector<1024x99xf32>,
    %get3A_24 = arith.constant 0 : index
    %get3A_25 = arith.constant 0 : index
    %get3A_26 = vector.load %arg3[%get3A_24, %get3A_25] : memref<1x1024xf32, #tpu.memory_space<vmem>>, vector<1x1024xf32>
    %mul3A_27 = arith.constant 5.000000e-01 : f32
    %mul3A_28 = vector.broadcast %mul3A_27 : f32 to vector<1x1024xf32>
    %mul3A_29 = arith.mulf %mul3A_28, %get3A_26 : vector<1x1024xf32>
    %tanh3A_30 = math.tanh %mul3A_29 : vector<1x1024xf32>
    %mul3A_31 = arith.constant 5.000000e-01 : f32
    %mul3A_32 = vector.broadcast %mul3A_31 : f32 to vector<1x1024xf32>
    %mul3A_33 = arith.mulf %mul3A_32, %tanh3A_30 : vector<1x1024xf32>
    %add3A_34 = arith.constant 5.000000e-01 : f32
    %add3A_35 = vector.broadcast %add3A_34 : f32 to vector<1x1024xf32>
    %add3A_36 = arith.addf %mul3A_33, %add3A_35 : vector<1x1024xf32>
    %mul3A_37 = arith.constant 1.000000e+01 : f32
    %mul3A_38 = vector.broadcast %mul3A_37 : f32 to vector<1x1024xf32>
    %mul3A_39 = arith.mulf %mul3A_38, %add3A_36 : vector<1x1024xf32>
    %transpose3A_40 = tpu.transpose %mul3A_39, [1, 0] : vector<1x1024xf32> -> vector<1024x1xf32>
    %swap3A_41 = arith.constant 0 : index
    %swap3A_42 = arith.constant 304 : index
    %swap3A_43 = vector.load %arg5[%swap3A_41, %swap3A_42] : memref<1024x384xf32, #tpu.memory_space<vmem>>, vector<1024x1xf32>
    tpu.vector_store %arg5[%swap3A_41, %swap3A_42], %transpose3A_40 {strides = array<i32>} : memref<1024x384xf32, #tpu.memory_space<vmem>>, vector<1024x1xf32>,
    %get3A_44 = arith.constant 0 : index
    %get3A_45 = arith.constant 0 : index
    %get3A_46 = vector.load %arg4[%get3A_44, %get3A_45] : memref<197x190xf32, #tpu.memory_space<vmem>>, vector<197x190xf32>
    %mul3A_47 = arith.constant 5.000000e-01 : f32
    %mul3A_48 = vector.broadcast %mul3A_47 : f32 to vector<197x190xf32>
    %mul3A_49 = arith.mulf %mul3A_48, %get3A_46 : vector<197x190xf32>
    %tanh3A_50 = math.tanh %mul3A_49 : vector<197x190xf32>
    %mul3A_51 = arith.constant 5.000000e-01 : f32
    %mul3A_52 = vector.broadcast %mul3A_51 : f32 to vector<197x190xf32>
    %mul3A_53 = arith.mulf %mul3A_52, %tanh3A_50 : vector<197x190xf32>
    %add3A_54 = arith.constant 5.000000e-01 : f32
    %add3A_55 = vector.broadcast %add3A_54 : f32 to vector<197x190xf32>
    %add3A_56 = arith.addf %mul3A_53, %add3A_55 : vector<197x190xf32>
    %swap3A_57 = arith.constant 0 : index
    %swap3A_58 = arith.constant 0 : index
    %swap3A_59 = vector.load %arg6[%swap3A_57, %swap3A_58] : memref<197x190xf32, #tpu.memory_space<vmem>>, vector<197x190xf32>
    tpu.vector_store %arg6[%swap3A_57, %swap3A_58], %add3A_56 {strides = array<i32>} : memref<197x190xf32, #tpu.memory_space<vmem>>, vector<197x190xf32>,
    return
  }
  func.func @transform_0(%arg0: i32) -> (i32, i32) {
    %c0_i32 = arith.constant 0 : i32
    %c0_i32_0 = arith.constant 0 : i32
    return %c0_i32, %arg0 : i32, i32
  }
  func.func @transform_1(%arg0: i32) -> (i32, i32) {
    %c0_i32 = arith.constant 0 : i32
    %c0_i32_0 = arith.constant 0 : i32
    return %c0_i32, %arg0 : i32, i32
  }
  func.func @transform_2(%arg0: i32) -> (i32, i32) {
    %c0_i32 = arith.constant 0 : i32
    %c0_i32_0 = arith.constant 0 : i32
    return %c0_i32, %arg0 : i32, i32
  }
  func.func @transform_3(%arg0: i32) -> (i32, i32) {
    %c0_i32 = arith.constant 0 : i32
    %c0_i32_0 = arith.constant 0 : i32
    %c0_i32_1 = arith.constant 0 : i32
    return %c0_i32, %c0_i32_0 : i32, i32
  }
  func.func @transform_4(%arg0: i32) -> (i32, i32) {
    %c0_i32 = arith.constant 0 : i32
    %c0_i32_0 = arith.constant 0 : i32
    return %arg0, %c0_i32 : i32, i32
  }
  func.func @transform_5(%arg0: i32) -> (i32, i32) {
    %c0_i32 = arith.constant 0 : i32
    %c0_i32_0 = arith.constant 0 : i32
    %c0_i32_1 = arith.constant 0 : i32
    return %c0_i32, %c0_i32_0 : i32, i32
  }
}

module attributes {stable_mosaic.version = 14 : i64} {
  func.func @_mlp_body(%arg0: i32, %arg1: memref<4096x384xf32, #tpu.memory_space<vmem>>, %arg2: memref<197x4096xf32, #tpu.memory_space<vmem>>, %arg3: memref<4096xi32, #tpu.memory_space<vmem>>, %arg4: memref<197x190xf32, #tpu.memory_space<vmem>>, %arg5: memref<512x197xf32, #tpu.memory_space<vmem>>, %arg6: memref<512x1xf32, #tpu.memory_space<vmem>>, %arg7: memref<256x512xf32, #tpu.memory_space<vmem>>, %arg8: memref<256x1xf32, #tpu.memory_space<vmem>>, %arg9: memref<1x256xf32, #tpu.memory_space<vmem>>, %arg10: memref<1x1xf32, #tpu.memory_space<vmem>>, %arg11: memref<2x4096xf32, #tpu.memory_space<vmem>>, %arg12: memref<197x4096xf32, #tpu.memory_space<vmem>>) attributes {dimension_semantics = [#tpu.dimension_semantics<arbitrary>], iteration_bounds = array<i64: 4>, scalar_prefetch = 0 : i64, scratch_operands = 0 : i64, tpu.core_type = #tpu.core_type<tc>, window_params = [{transform_indices = @transform_0, window_bounds = array<i64: 4096, 384>}, {transform_indices = @transform_1, window_bounds = array<i64: 197, 4096>}, {transform_indices = @transform_2, window_bounds = array<i64: 4096>}, {pipeline_mode = #tpu.pipeline_mode<synchronous>, transform_indices = @transform_3, window_bounds = array<i64: 197, 190>}, {pipeline_mode = #tpu.pipeline_mode<synchronous>, transform_indices = @transform_4, window_bounds = array<i64: 512, 197>}, {pipeline_mode = #tpu.pipeline_mode<synchronous>, transform_indices = @transform_5, window_bounds = array<i64: 512, 1>}, {pipeline_mode = #tpu.pipeline_mode<synchronous>, transform_indices = @transform_6, window_bounds = array<i64: 256, 512>}, {pipeline_mode = #tpu.pipeline_mode<synchronous>, transform_indices = @transform_7, window_bounds = array<i64: 256, 1>}, {pipeline_mode = #tpu.pipeline_mode<synchronous>, transform_indices = @transform_8, window_bounds = array<i64: 1, 256>}, {pipeline_mode = #tpu.pipeline_mode<synchronous>, transform_indices = @transform_9, window_bounds = array<i64: 1, 1>}, {transform_indices = @transform_10, window_bounds = array<i64: 2, 4096>}, {transform_indices = @transform_11, window_bounds = array<i64: 197, 4096>}]} {
    %get3A = arith.constant 0 : index
    %get3A_0 = vector.load %arg3[%get3A] : memref<4096xi32, #tpu.memory_space<vmem>>, vector<4096xi32>
    %reshape3A = vector.shape_cast %get3A_0 : vector<4096xi32> to vector<1x4096xi32>
    %iota3A = tpu.iota {dimensions = array<i32: 0>} : vector<190x4096xi32>
    %eq3A = vector.broadcast %reshape3A : vector<1x4096xi32> to vector<190x4096xi32>
    %eq3A_1 = arith.cmpi eq, %eq3A, %iota3A : vector<190x4096xi32>
    %convert_element_type3A = arith.extui %eq3A_1 : vector<190x4096xi1> to vector<190x4096xi32>
    %convert_element_type3A_2 = arith.sitofp %convert_element_type3A : vector<190x4096xi32> to vector<190x4096xf32>
    %convert_element_type3A_3 = arith.truncf %convert_element_type3A_2 : vector<190x4096xf32> to vector<190x4096xbf16>
    %get3A_4 = arith.constant 0 : index
    %get3A_5 = arith.constant 0 : index
    %get3A_6 = vector.load %arg4[%get3A_4, %get3A_5] : memref<197x190xf32, #tpu.memory_space<vmem>>, vector<197x190xf32>
    %convert_element_type3A_7 = arith.truncf %get3A_6 : vector<197x190xf32> to vector<197x190xbf16>
    %dot_general3A = arith.constant dense<0.000000e+00> : vector<197x4096xf32>
    %dot_general3A_8 = tpu.matmul %convert_element_type3A_7, %convert_element_type3A_3, %dot_general3A {dimension_numbers = #tpu.dot_dimension_numbers<[1], [0], [0], [1], [0, 0, 1, 1], [], []>, transpose_lhs_hint = false} : vector<197x190xbf16>, vector<190x4096xbf16>, vector<197x4096xf32> -> vector<197x4096xf32>
    %get3A_9 = arith.constant 0 : index
    %get3A_10 = arith.constant 0 : index
    %get3A_11 = vector.load %arg1[%get3A_9, %get3A_10] : memref<4096x384xf32, #tpu.memory_space<vmem>>, vector<4096x384xf32>
    %transpose3A = tpu.transpose %get3A_11, [1, 0] : vector<4096x384xf32> -> vector<384x4096xf32>
    %slice3A = vector.extract_strided_slice %transpose3A {offsets = [0, 0], sizes = [197, 4096], strides = [1, 1]} : vector<384x4096xf32> to vector<197x4096xf32>
    %swap3A = arith.constant 0 : index
    %swap3A_12 = arith.constant 0 : index
    %swap3A_13 = vector.load %arg12[%swap3A, %swap3A_12] : memref<197x4096xf32, #tpu.memory_space<vmem>>, vector<197x4096xf32>
    tpu.vector_store %arg12[%swap3A, %swap3A_12], %slice3A {strides = array<i32>} : memref<197x4096xf32, #tpu.memory_space<vmem>>, vector<197x4096xf32>,
    %slice3A_14 = vector.extract_strided_slice %transpose3A {offsets = [304, 0], sizes = [1, 4096], strides = [1, 1]} : vector<384x4096xf32> to vector<1x4096xf32>
    %slice3A_15 = vector.extract_strided_slice %transpose3A {offsets = [200, 0], sizes = [99, 4096], strides = [1, 1]} : vector<384x4096xf32> to vector<99x4096xf32>
    %bitcast_convert_type3A = tpu.bitcast %slice3A_15 : vector<99x4096xf32> -> vector<99x4096xi32>
    %and3A = arith.constant 65535 : i32
    %and3A_16 = vector.broadcast %and3A : i32 to vector<99x4096xi32>
    %and3A_17 = arith.andi %bitcast_convert_type3A, %and3A_16 : vector<99x4096xi32>
    %convert_element_type3A_18 = arith.trunci %and3A_17 : vector<99x4096xi32> to vector<99x4096xi16>
    %bitcast_convert_type3A_19 = tpu.bitcast %convert_element_type3A_18 : vector<99x4096xi16> -> vector<99x4096xbf16>
    %shift_right_logical3A = arith.constant 16 : i32
    %shift_right_logical3A_20 = vector.broadcast %shift_right_logical3A : i32 to vector<99x4096xi32>
    %shift_right_logical3A_21 = arith.shrui %bitcast_convert_type3A, %shift_right_logical3A_20 : vector<99x4096xi32>
    %convert_element_type3A_22 = arith.trunci %shift_right_logical3A_21 : vector<99x4096xi32> to vector<99x4096xi16>
    %bitcast_convert_type3A_23 = tpu.bitcast %convert_element_type3A_22 : vector<99x4096xi16> -> vector<99x4096xbf16>
    %concatenate3A = tpu.concatenate %bitcast_convert_type3A_19, %bitcast_convert_type3A_23 in 0 : vector<99x4096xbf16>, vector<99x4096xbf16> -> vector<198x4096xbf16>
    %slice3A_24 = vector.extract_strided_slice %concatenate3A {offsets = [0, 0], sizes = [197, 4096], strides = [1, 1]} : vector<198x4096xbf16> to vector<197x4096xbf16>
    %convert_element_type3A_25 = arith.truncf %slice3A_14 : vector<1x4096xf32> to vector<1x4096xbf16>
    %convert_element_type3A_26 = arith.truncf %dot_general3A_8 : vector<197x4096xf32> to vector<197x4096xbf16>
    %sub3A = arith.subf %convert_element_type3A_26, %slice3A_24 : vector<197x4096xbf16>
    %mul3A = vector.broadcast %convert_element_type3A_25 : vector<1x4096xbf16> to vector<197x4096xbf16>
    %mul3A_27 = arith.mulf %mul3A, %sub3A : vector<197x4096xbf16>
    %get3A_28 = arith.constant 0 : index
    %get3A_29 = arith.constant 0 : index
    %get3A_30 = vector.load %arg2[%get3A_28, %get3A_29] : memref<197x4096xf32, #tpu.memory_space<vmem>>, vector<197x4096xf32>
    %convert_element_type3A_31 = arith.truncf %get3A_30 : vector<197x4096xf32> to vector<197x4096xbf16>
    %mul3A_32 = arith.constant 5.000000e-01 : f32
    %mul3A_33 = vector.broadcast %mul3A_32 : f32 to vector<197x4096xf32>
    %mul3A_34 = arith.mulf %mul3A_33, %slice3A : vector<197x4096xf32>
    %tanh3A = math.tanh %mul3A_34 : vector<197x4096xf32>
    %mul3A_35 = arith.constant 5.000000e-01 : f32
    %mul3A_36 = vector.broadcast %mul3A_35 : f32 to vector<197x4096xf32>
    %mul3A_37 = arith.mulf %mul3A_36, %tanh3A : vector<197x4096xf32>
    %add3A = arith.constant 5.000000e-01 : f32
    %add3A_38 = vector.broadcast %add3A : f32 to vector<197x4096xf32>
    %add3A_39 = arith.addf %mul3A_37, %add3A_38 : vector<197x4096xf32>
    %convert_element_type3A_40 = arith.truncf %add3A_39 : vector<197x4096xf32> to vector<197x4096xbf16>
    %mul3A_41 = arith.mulf %convert_element_type3A_31, %convert_element_type3A_40 : vector<197x4096xbf16>
    %mul3A_42 = arith.mulf %mul3A_27, %mul3A_41 : vector<197x4096xbf16>
    %get3A_43 = arith.constant 0 : index
    %get3A_44 = arith.constant 0 : index
    %get3A_45 = vector.load %arg5[%get3A_43, %get3A_44] : memref<512x197xf32, #tpu.memory_space<vmem>>, vector<512x197xf32>
    %convert_element_type3A_46 = arith.truncf %get3A_45 : vector<512x197xf32> to vector<512x197xbf16>
    %dot_general3A_47 = arith.constant dense<0.000000e+00> : vector<512x4096xf32>
    %dot_general3A_48 = tpu.matmul %convert_element_type3A_46, %mul3A_42, %dot_general3A_47 {dimension_numbers = #tpu.dot_dimension_numbers<[1], [0], [0], [1], [0, 0, 1, 1], [], []>, transpose_lhs_hint = false} : vector<512x197xbf16>, vector<197x4096xbf16>, vector<512x4096xf32> -> vector<512x4096xf32>
    %get3A_49 = arith.constant 0 : index
    %get3A_50 = arith.constant 0 : index
    %get3A_51 = vector.load %arg6[%get3A_49, %get3A_50] : memref<512x1xf32, #tpu.memory_space<vmem>>, vector<512x1xf32>
    %add3A_52 = vector.broadcast %get3A_51 : vector<512x1xf32> to vector<512x4096xf32>
    %add3A_53 = arith.addf %dot_general3A_48, %add3A_52 : vector<512x4096xf32>
    %mul3A_54 = arith.constant 5.000000e-01 : f32
    %mul3A_55 = vector.broadcast %mul3A_54 : f32 to vector<512x4096xf32>
    %mul3A_56 = arith.mulf %mul3A_55, %add3A_53 : vector<512x4096xf32>
    %tanh3A_57 = math.tanh %mul3A_56 : vector<512x4096xf32>
    %mul3A_58 = arith.constant 5.000000e-01 : f32
    %mul3A_59 = vector.broadcast %mul3A_58 : f32 to vector<512x4096xf32>
    %mul3A_60 = arith.mulf %mul3A_59, %tanh3A_57 : vector<512x4096xf32>
    %add3A_61 = arith.constant 5.000000e-01 : f32
    %add3A_62 = vector.broadcast %add3A_61 : f32 to vector<512x4096xf32>
    %add3A_63 = arith.addf %mul3A_60, %add3A_62 : vector<512x4096xf32>
    %get3A_64 = arith.constant 0 : index
    %get3A_65 = arith.constant 0 : index
    %get3A_66 = vector.load %arg7[%get3A_64, %get3A_65] : memref<256x512xf32, #tpu.memory_space<vmem>>, vector<256x512xf32>
    %convert_element_type3A_67 = arith.truncf %get3A_66 : vector<256x512xf32> to vector<256x512xbf16>
    %convert_element_type3A_68 = arith.truncf %add3A_63 : vector<512x4096xf32> to vector<512x4096xbf16>
    %dot_general3A_69 = arith.constant dense<0.000000e+00> : vector<256x4096xf32>
    %dot_general3A_70 = tpu.matmul %convert_element_type3A_67, %convert_element_type3A_68, %dot_general3A_69 {dimension_numbers = #tpu.dot_dimension_numbers<[1], [0], [0], [1], [0, 0, 1, 1], [], []>, transpose_lhs_hint = false} : vector<256x512xbf16>, vector<512x4096xbf16>, vector<256x4096xf32> -> vector<256x4096xf32>
    %get3A_71 = arith.constant 0 : index
    %get3A_72 = arith.constant 0 : index
    %get3A_73 = vector.load %arg8[%get3A_71, %get3A_72] : memref<256x1xf32, #tpu.memory_space<vmem>>, vector<256x1xf32>
    %add3A_74 = vector.broadcast %get3A_73 : vector<256x1xf32> to vector<256x4096xf32>
    %add3A_75 = arith.addf %dot_general3A_70, %add3A_74 : vector<256x4096xf32>
    %mul3A_76 = arith.constant 5.000000e-01 : f32
    %mul3A_77 = vector.broadcast %mul3A_76 : f32 to vector<256x4096xf32>
    %mul3A_78 = arith.mulf %mul3A_77, %add3A_75 : vector<256x4096xf32>
    %tanh3A_79 = math.tanh %mul3A_78 : vector<256x4096xf32>
    %mul3A_80 = arith.constant 5.000000e-01 : f32
    %mul3A_81 = vector.broadcast %mul3A_80 : f32 to vector<256x4096xf32>
    %mul3A_82 = arith.mulf %mul3A_81, %tanh3A_79 : vector<256x4096xf32>
    %add3A_83 = arith.constant 5.000000e-01 : f32
    %add3A_84 = vector.broadcast %add3A_83 : f32 to vector<256x4096xf32>
    %add3A_85 = arith.addf %mul3A_82, %add3A_84 : vector<256x4096xf32>
    %get3A_86 = arith.constant 0 : index
    %get3A_87 = arith.constant 0 : index
    %get3A_88 = vector.load %arg9[%get3A_86, %get3A_87] : memref<1x256xf32, #tpu.memory_space<vmem>>, vector<1x256xf32>
    %dot_general3A_89 = arith.constant dense<0.000000e+00> : vector<1x4096xf32>
    %dot_general3A_90 = tpu.matmul %get3A_88, %add3A_85, %dot_general3A_89 {dimension_numbers = #tpu.dot_dimension_numbers<[1], [0], [0], [1], [0, 0, 1, 1], [], []>, transpose_lhs_hint = false} : vector<1x256xf32>, vector<256x4096xf32>, vector<1x4096xf32> -> vector<1x4096xf32>
    %get3A_91 = arith.constant 0 : index
    %get3A_92 = arith.constant 0 : index
    %get3A_93 = vector.load %arg10[%get3A_91, %get3A_92] : memref<1x1xf32, #tpu.memory_space<vmem>>, vector<1x1xf32>
    %add3A_94 = vector.broadcast %get3A_93 : vector<1x1xf32> to vector<1x4096xf32>
    %add3A_95 = arith.addf %dot_general3A_90, %add3A_94 : vector<1x4096xf32>
    %mul3A_96 = arith.constant 5.000000e-01 : f32
    %mul3A_97 = vector.broadcast %mul3A_96 : f32 to vector<1x4096xf32>
    %mul3A_98 = arith.mulf %mul3A_97, %add3A_95 : vector<1x4096xf32>
    %tanh3A_99 = math.tanh %mul3A_98 : vector<1x4096xf32>
    %mul3A_100 = arith.constant 5.000000e-01 : f32
    %mul3A_101 = vector.broadcast %mul3A_100 : f32 to vector<1x4096xf32>
    %mul3A_102 = arith.mulf %mul3A_101, %tanh3A_99 : vector<1x4096xf32>
    %add3A_103 = arith.constant 5.000000e-01 : f32
    %add3A_104 = vector.broadcast %add3A_103 : f32 to vector<1x4096xf32>
    %add3A_105 = arith.addf %mul3A_102, %add3A_104 : vector<1x4096xf32>
    %sub3A_106 = arith.constant 1.000000e+00 : f32
    %sub3A_107 = vector.broadcast %sub3A_106 : f32 to vector<1x4096xf32>
    %sub3A_108 = arith.subf %sub3A_107, %add3A_105 : vector<1x4096xf32>
    %swap3A_109 = arith.constant 0 : index
    %swap3A_110 = arith.constant 0 : index
    %swap3A_111 = vector.load %arg11[%swap3A_109, %swap3A_110] : memref<2x4096xf32, #tpu.memory_space<vmem>>, vector<1x4096xf32>
    tpu.vector_store %arg11[%swap3A_109, %swap3A_110], %sub3A_108 {strides = array<i32>} : memref<2x4096xf32, #tpu.memory_space<vmem>>, vector<1x4096xf32>,
    %swap3A_112 = arith.constant 1 : index
    %swap3A_113 = arith.constant 0 : index
    %swap3A_114 = vector.load %arg11[%swap3A_112, %swap3A_113] : memref<2x4096xf32, #tpu.memory_space<vmem>>, vector<1x4096xf32>
    tpu.vector_store %arg11[%swap3A_112, %swap3A_113], %add3A_105 {strides = array<i32>} : memref<2x4096xf32, #tpu.memory_space<vmem>>, vector<1x4096xf32>,
    return
  }
  func.func @transform_0(%arg0: i32) -> (i32, i32) {
    %c0_i32 = arith.constant 0 : i32
    %c0_i32_0 = arith.constant 0 : i32
    return %arg0, %c0_i32 : i32, i32
  }
  func.func @transform_1(%arg0: i32) -> (i32, i32) {
    %add3A = arith.constant 0 : i32
    %add3A_0 = arith.addi %arg0, %add3A : i32
    %c0_i32 = arith.constant 0 : i32
    %c0_i32_1 = arith.constant 0 : i32
    return %c0_i32, %add3A_0 : i32, i32
  }
  func.func @transform_2(%arg0: i32) -> i32 {
    %add3A = arith.constant 0 : i32
    %add3A_0 = arith.addi %arg0, %add3A : i32
    %c0_i32 = arith.constant 0 : i32
    return %add3A_0 : i32
  }
  func.func @transform_3(%arg0: i32) -> (i32, i32) {
    %c0_i32 = arith.constant 0 : i32
    %c0_i32_0 = arith.constant 0 : i32
    %c0_i32_1 = arith.constant 0 : i32
    return %c0_i32, %c0_i32_0 : i32, i32
  }
  func.func @transform_4(%arg0: i32) -> (i32, i32) {
    %c0_i32 = arith.constant 0 : i32
    %c0_i32_0 = arith.constant 0 : i32
    %c0_i32_1 = arith.constant 0 : i32
    return %c0_i32, %c0_i32_0 : i32, i32
  }
  func.func @transform_5(%arg0: i32) -> (i32, i32) {
    %c0_i32 = arith.constant 0 : i32
    %c0_i32_0 = arith.constant 0 : i32
    %c0_i32_1 = arith.constant 0 : i32
    return %c0_i32, %c0_i32_0 : i32, i32
  }
  func.func @transform_6(%arg0: i32) -> (i32, i32) {
    %c0_i32 = arith.constant 0 : i32
    %c0_i32_0 = arith.constant 0 : i32
    %c0_i32_1 = arith.constant 0 : i32
    return %c0_i32, %c0_i32_0 : i32, i32
  }
  func.func @transform_7(%arg0: i32) -> (i32, i32) {
    %c0_i32 = arith.constant 0 : i32
    %c0_i32_0 = arith.constant 0 : i32
    %c0_i32_1 = arith.constant 0 : i32
    return %c0_i32, %c0_i32_0 : i32, i32
  }
  func.func @transform_8(%arg0: i32) -> (i32, i32) {
    %c0_i32 = arith.constant 0 : i32
    %c0_i32_0 = arith.constant 0 : i32
    %c0_i32_1 = arith.constant 0 : i32
    return %c0_i32, %c0_i32_0 : i32, i32
  }
  func.func @transform_9(%arg0: i32) -> (i32, i32) {
    %c0_i32 = arith.constant 0 : i32
    %c0_i32_0 = arith.constant 0 : i32
    %c0_i32_1 = arith.constant 0 : i32
    return %c0_i32, %c0_i32_0 : i32, i32
  }
  func.func @transform_10(%arg0: i32) -> (i32, i32) {
    %c0_i32 = arith.constant 0 : i32
    %c0_i32_0 = arith.constant 0 : i32
    return %c0_i32, %arg0 : i32, i32
  }
  func.func @transform_11(%arg0: i32) -> (i32, i32) {
    %c0_i32 = arith.constant 0 : i32
    %c0_i32_0 = arith.constant 0 : i32
    return %c0_i32, %arg0 : i32, i32
  }
}

</mosaic_0001>

<sc_bundles>
// kernel: kernel.5.cloned.1.call-start
scs
__scs_entry_jumppad:
0x0: {  	(pc) =	sbr.rel $0x88, $3  }
0x1: {  	(tag) =	ssettag $0x0;
	lr =	simm.s32 $0x1  }
0x2: {  	[smem:$0x3F94] =	sst lr;
	_ =	strace $0xD0000000  }
0x3: {  	_ = 	snop  }
0x4: {  	_ = 	snop  }
0x5: {  	_ = 	snop  }
0x6: {  	_ = 	snop  }
0x7: {  	_ = 	snop  }
__scs_overlays_trampoline_lowered:
0x8: {  	[smem:$0x3FA3] =	sst s0  }
0x9: {  	[smem:$0x3FA4] =	sst s1  }
0xa: {  	[smem:$0x3FA5] =	sst s2  }
0xb: {  	[smem:$0x3FA6] =	sst s3  }
0xc: {  	[smem:$0x3FA7] =	sst s4  }
0xd: {  	[smem:$0x3FA8] =	sst s5  }
0xe: {  	[smem:$0x3FA9] =	sst s6  }
0xf: {  	[smem:$0x3FAA] =	sst s7  }
0x10: {  	[smem:$0x3FAB] =	sst s8  }
0x11: {  	[smem:$0x3FAC] =	sst s9;
	s0 =	simm.s32 @!p0 $0x0  }
0x12: {  	s1 =	sld [smem:$0x3F92];
	s0 =	simm.s32 @p0 $0x1  }
0x13: {  	[smem:$0x3FAD] =	sst s0;
	s0 =	simm.s32 @!p1 $0x0  }
0x14: {  	s2 =	sld [smem:$0x3F91];
	s0 =	simm.s32 @p1 $0x1  }
0x15: {  	[smem:$0x3FAE] =	sst s0;
	s0 =	simm.s32 @!p2 $0x0  }
0x16: {  	s3 =	sld [smem:$0x3FDB];
	s0 =	simm.s32 @p2 $0x1  }
0x17: {  	s4 =	simm.s32 $0x1BF5;
	[smem:$0x3FB0] =	sst s0  }
0x18: {  	s0 =	sld [smem:$0x3F93];
	_ =	swait.ge [sflag:s4], $0x0  }
0x19: {  	s7 =	sld [smem:$0x3F94]  }
0x1a: {  	s8 =	sadd.s32 $0xFFFFE003, lr  }
0x1b: {  	s9 =	sadd.s32 $0xFFFFFEF7, lr;
	s5 =	simm.s32 $0xFFFFFFFF;
	p2 =	slt.u32 s8, $0xFFFFF086  }
0x1c: {  	p1 =	slt.u32 s9, $0xF7A;
	s5 =	simm.s32 @!p2 $0x0  }
0x1d: {  	s5 =	simm.s32 @p1 $0x1;
	p0 =	seq.s32 s7, s2  }
0x1e: {  	s7 =	smul.u32 @!p0 $0xF7A, s2;
	p2 =	seq.s32 @!p0 s5, $0x0  }
0x1f: {  	s9 =	smul.u32 $0xF7A, s1;
	s8 =	simm.s32 @!p0 $0x1BF5;
	p2 =	por !p2, p0  }
0x20: {  	[sflag:s8] =	ssyncset.s32 @!p0 $0xFFFFF086;
	s6 =	sadd.s32 @!p0 s3, s7;
	s7 =	simm.s32 @!p0 $0x108  }
0x21: {  	s3 =	sadd.s32 s3, s9;
	s6 =	sadd.s32 @!p0 $0x88, s6;
	s7 =	simm.s32 @p2 $0x1082  }
0x22: {  	[simem:s7], [sflag:s8] =	dma.local @!p0 [hbm:s6], $0xF7A  }
0x23: {  	s9 =	sor.u32 $0xD0000000, s2;
	s6 =	simm.s32 $0x108;
	_ =	swait.ge @!p0 [sflag:s8], $0x0  }
0x24: {  	s3 =	sadd.s32 $0x88, s3;
	s6 =	simm.s32 @!p1 $0x1082;
	[sflag:s4] =	ssyncset.s32 $0xFFFFF086  }
0x25: {  	[simem:s6], [sflag:s4] =	dma.local [hbm:s3], $0xF7A  }
0x26: {  	[smem:$0x3F94] =	sst s1;
	(tag) =	ssettag s2;
	_ =	strace s9  }
0x27: {  	s1 =	sld [smem:$0x3FA4]  }
0x28: {  	s2 =	sld [smem:$0x3FA5]  }
0x29: {  	s4 =	sld [smem:$0x3FA7]  }
0x2a: {  	p0 =	seq.s32 s5, $0x0;
	s5 =	sld [smem:$0x3FA8]  }
0x2b: {  	s6 =	sld [smem:$0x3FA9]  }
0x2c: {  	s7 =	sld [smem:$0x3FAA]  }
0x2d: {  	s3 =	simm.s32 $0x108;
	s8 =	sld [smem:$0x3FAB]  }
0x2e: {  	s3 =	simm.s32 @!p0 $0x1082;
	s9 =	sld [smem:$0x3FAC]  }
0x2f: {  	lr =	sadd.s32 s0, s3;
	s0 =	sld [smem:$0x3FA3]  }
0x30: {  	s3 =	sld [smem:$0x3FA6]  }
0x31: {  	[smem:$0x3FAF] =	sst s10  }
0x32: {  	s10 =	sld [smem:$0x3FAD];
	_ =	sdelay $0x3  }
0x33: {  	p0 =	seq.s32 s10, $0x1;
	s10 =	sld [smem:$0x3FAF];
	_ =	sdelay $0x3  }
0x34: {  	[smem:$0x3FAF] =	sst s10  }
0x35: {  	s10 =	sld [smem:$0x3FAE];
	_ =	sdelay $0x3  }
0x36: {  	p1 =	seq.s32 s10, $0x1;
	s10 =	sld [smem:$0x3FAF];
	_ =	sdelay $0x3  }
0x37: {  	[smem:$0x3FAF] =	sst s10  }
0x38: {  	s10 =	sld [smem:$0x3FB0]  }
0x39: {  	_ = 	snop;
	(pc) =	sbr.ind lr, $3  }
0x3a: {  	_ = 	snop  }
0x3b: {  	_ = 	snop  }
0x3c: {  	p2 =	seq.s32 s10, $0x1;
	s10 =	sld [smem:$0x3FAF]  }
0x3d: {  	_ =	shalt  }
0x3e: {  	_ =	shalt  }
0x3f: {  	_ =	shalt  }
0x40: {  	_ =	shalt  }
0x41: {  	_ =	shalt  }
0x42: {  	_ =	shalt  }
0x43: {  	_ =	shalt  }
0x44: {  	_ =	shalt  }
0x45: {  	_ =	shalt  }
0x46: {  	_ =	shalt  }
0x47: {  	_ =	shalt  }
0x48: {  	_ =	shalt  }
0x49: {  	_ =	shalt  }
0x4a: {  	_ =	shalt  }
0x4b: {  	_ =	shalt  }
0x4c: {  	_ =	shalt  }
0x4d: {  	_ =	shalt  }
0x4e: {  	_ =	shalt  }
0x4f: {  	_ =	shalt  }
0x50: {  	_ =	shalt  }
0x51: {  	_ =	shalt  }
0x52: {  	_ =	shalt  }
0x53: {  	_ =	shalt  }
0x54: {  	_ =	shalt  }
0x55: {  	_ =	shalt  }
0x56: {  	_ =	shalt  }
0x57: {  	_ =	shalt  }
0x58: {  	_ =	shalt  }
0x59: {  	_ =	shalt  }
0x5a: {  	_ =	shalt  }
0x5b: {  	_ =	shalt  }
0x5c: {  	_ =	shalt  }
0x5d: {  	_ =	shalt  }
0x5e: {  	_ =	shalt  }
0x5f: {  	_ =	shalt  }
0x60: {  	_ =	shalt  }
0x61: {  	_ =	shalt  }
0x62: {  	_ =	shalt  }
0x63: {  	_ =	shalt  }
0x64: {  	_ =	shalt  }
0x65: {  	_ =	shalt  }
0x66: {  	_ =	shalt  }
0x67: {  	_ =	shalt  }
0x68: {  	_ =	shalt  }
0x69: {  	_ =	shalt  }
0x6a: {  	_ =	shalt  }
0x6b: {  	_ =	shalt  }
0x6c: {  	_ =	shalt  }
0x6d: {  	_ =	shalt  }
0x6e: {  	_ =	shalt  }
0x6f: {  	_ =	shalt  }
0x70: {  	_ =	shalt  }
0x71: {  	_ =	shalt  }
0x72: {  	_ =	shalt  }
0x73: {  	_ =	shalt  }
0x74: {  	_ =	shalt  }
0x75: {  	_ =	shalt  }
0x76: {  	_ =	shalt  }
0x77: {  	_ =	shalt  }
0x78: {  	_ =	shalt  }
0x79: {  	_ =	shalt  }
0x7a: {  	_ =	shalt  }
0x7b: {  	_ =	shalt  }
0x7c: {  	_ =	shalt  }
0x7d: {  	_ =	shalt  }
0x7e: {  	_ =	shalt  }
0x7f: {  	_ =	shalt  }
0x80: {  	_ =	shalt  }
0x81: {  	_ =	shalt  }
0x82: {  	_ =	shalt  }
0x83: {  	_ =	shalt  }
0x84: {  	_ =	shalt  }
0x85: {  	_ =	shalt  }
0x86: {  	_ =	shalt  }
0x87: {  	_ =	shalt  }
.Lfunc_end0:
.L_simem_size_0:
called_computation_lowered:
.L_overlay_start_0:
0x88: {  	s2 =	sld [smem:$0x3FD9]  }
0x89: {  	s3 =	sld [smem:$0x3FFE];
	_ =	sdelay $0x1  }
0x8a: {  	s1 =	srdreg.scid  }
0x8b: {  	s0 =	sand.u32 $0x1, s1  }
0x8c: {  	s14 =	sshll.u32 s0, $0xA;
	s2 =	sadd.s32 s3, s2  }
0x8d: {  	s2 =	sadd.s32 s2, s14  }
0x8e: {  	[smem:$0x3FBB] =	sst s2  }
0x8f: {  	_ = 	snop  }
0x90: {  	s2 =	sld [smem:$0x3FD0];
	_ =	sdelay $0x2  }
0x91: {  	s4 =	simm.s32 $0xA;
	s5 =	simm.s32 $0x10;
	s15 =	sld [smem:$0x3FC8]  }
0x92: {  	[smem:s5], [sflag:s4] =	dma.local [hbm:s2], $0x1  }
0x93: {  	_ =	swait.eq [sflag:s4], $0x1  }
0x94: {  	[sflag:s4] =	ssyncset.done $0x0  }
0x95: {  	[sflag:s4] =	ssyncadd.s32 $0xFFFFFFFF  }
0x96: {  	s16 =	sld [smem:$0x11];
	(tm) =	ssettm $0x1  }
0x97: {  	s17 =	sld [smem:$0x3FFB];
	_ =	sdelay $0x3  }
0x98: {  	_ =	strace s17  }
0x99: {  	s4 =	sld [smem:$0x3FFC];
	_ =	sdelay $0x3  }
0x9a: {  	_ =	strace s4  }
0x9b: {  	s4 =	sld [smem:$0x3FFD];
	_ =	sdelay $0x3  }
0x9c: {  	_ =	strace s4  }
0x9d: {  	_ =	strace $0x8FFFFFFF  }
0x9e: {  	s18 =	sld [smem:$0x3FDB];
	_ =	sdelay $0x1  }
0x9f: {  	s19 =	simm.s32 $_scs_section_size  }
0xa0: {  	s6 =	simm.s32 $_size__tile_overlayer_lowered;
	s7 =	simm.s32 $_tile_overlayer_lowered  }
0xa1: {  	s22 =	simm.s32 $0x1BFF;
	s21 =	sshll.u32 s7, $0x1;
	s4 =	sadd.s32 s19, s18  }
0xa2: {  	s8 =	simm.s32 $0x0;
	s20 =	sshll.u32 s6, $0x1;
	s6 =	sadd.s32 s21, s4  }
0xa3: {  	[timem:s8], [sflag:s22] =	dma.local [hbm:s6], s20  }
0xa4: {  	_ =	swait.ge [sflag:s22], s20  }
0xa5: {  	s5 =	ssub.s32 $0x0, s20;
	[sflag:s22] =	ssyncset.done $0x0  }
0xa6: {  	[sflag:s22] =	ssyncadd.s32 s5;
	_ =	sdelay $0x1  }
0xa7: {  	s23 =	simm.s32 $0x1B8B  }
0xa8: {  	_ =	swait.ge [sflag:s23], $0x1  }
0xa9: {  	[sflag:s23] =	ssyncset.done $0x0  }
0xaa: {  	s25 =	simm.s32 $0x1B8E;
	s24 =	sld [smem:$0x3FFE];
	[sflag:s23] =	ssyncadd.s32 $0xFFFFFFFF  }
0xab: {  	s26 =	simm.s32 $execute0_lowered;
	[smem:$0x3FD2] =	sst s25  }
0xac: {  	s6 =	sshll.u32 s26, $0x1;
	_ =	strace $0x80000046;
	[dreg:$0x1] =	wrdreg $0xFFFFFFFF  }
0xad: {  	s28 =	simm.s32 $_size_execute0_lowered;
	s4 =	sadd.s32 s4, s6;
	[dreg:$0x0] =	wrdreg $0x0  }
0xae: {  	s6 =	sshll.u32 s28, $0x1;
	[dreg:$0x2] =	wrdreg s4  }
0xaf: {  	[dreg:$0x3] =	wrdreg s6  }
0xb0: {  	[dreg:$0x4] =	wrdreg $0xC0  }
0xb1: {  	_ =	task [dreg:s8], $0x5FFFF  }
0xb2: {  	[dreg:$0x1] =	wrdreg $0xFFFFFFFF  }
0xb3: {  	[dreg:$0x0] =	wrdreg $0x60  }
0xb4: {  	[dreg:$0x2] =	wrdreg s16  }
0xb5: {  	[dreg:$0x3] =	wrdreg s15  }
0xb6: {  	[dreg:$0x4] =	wrdreg s24  }
0xb7: {  	[dreg:$0x5] =	wrdreg $0x9  }
0xb8: {  	_ =	task.clear_ibuf [dreg:s8], $0x6FFFF;
	_ =	strace $0x90000046  }
0xb9: {  	s29 =	simm.s32 $0x9;
	_ =	strace $0x80000048  }
0xba: {  	_ =	swait.ge [sflag:s29], $0x1  }
0xbb: {  	[sflag:s29] =	ssyncadd.s32 $0xFFFFFFFF  }
0xbc: {  	_ =	strace $0x90000048  }
0xbd: {  	_ =	sfence  }
0xbe: {  	s30 =	sld [smem:$0x0];
	_ =	sdelay $0x2  }
0xbf: {  	s31 =	sshll.u32 s1, $0xD;
	s1 =	sshrl.u32 s1, $0x2  }
0xc0: {  	s3 =	sand.u32 $0x4000, s31;
	s1 =	sadd.s32 s1, s30  }
0xc1: {  	s0 =	sor.u32 s3, s0;
	s1 =	sshll.u32 s1, $0x11  }
0xc2: {  	s0 =	sor.u32 s1, s0  }
0xc3: {  	s0 =	sadd.s32 $0x8F2B, s0  }
0xc4: {  	[sflag:s0] =	ssyncadd.remote.s32 $0x1  }
0xc5: {  	_ =	sfence.sel $0xFFFF  }
0xc6: {  	[dreg:$0x0] =	wrdreg $0xFFFFFFFF;
	(pc) =	sbr.abs _section_cstart, $3  }
0xc7: {  	[dreg:$0x1] =	wrdreg $0xFFFFFFFF  }
0xc8: {  	_ =	task.clear_ibuf [dreg:s8], $0x2FFFF;
	_ =	strace $0x9FFFFFFF  }
0xc9: {  	(tm) =	ssettm $0x7FFFFFFF  }
tec
execute0_lowered:
.L_overlay_start_1:
0x0: {  	(tag) =	ssettag $0x1  }
0x1: {  	s1 =	rddreg [dreg:$0x0]  }
0x2: {  	s0 =	rddreg [dreg:$0x1]  }
0x3: {  	s2 =	rddreg [dreg:$0x2]  }
0x4: {  	s3 =	srdreg.scid;
	s5 =	stileid.u32  }
0x5: {  	s28 =	simm.s32 $0x10980;
	s29 =	simm.s32 $0x11180;
	s30 =	simm.s32 $0x11580  }
0x6: {  	s31 =	simm.s32 $0x11D80;
	s4 =	sand.u32 $0x1, s3;
	s3 =	simm.s32 $0x0  }
0x7: {  	s5 =	sshll.u32 s5, $0x7;
	s2 =	sadd.s32 $0x2C00, s2;
	s6 =	sshll.u32 s4, $0x6  }
0x8: {  	[smem:$0x7FF] =	sst s3;
	s4 =	ssub.s32 $0x2, s4;
	s5 =	sor.u32 s6, s5  }
0x9: {  	_ =	strace $0x80000047;
	s6 =	sadd.s32 s0, s5;
	s7 =	sor.u32 $0x8, s5  }
0xa: {  	s8 =	sor.u32 $0x10, s5;
	s9 =	smul.u32 $0x180, s5;
	s25 =	sor.u32 $0x18, s5  }
0xb: {  	s11 =	sor.u32 $0x20, s5;
	s14 =	sor.u32 $0x28, s5;
	s17 =	sor.u32 $0x30, s5  }
0xc: {  	s5 =	sor.u32 $0x38, s5;
	[dreg:$0x4] =	wrdreg s6;
	s22 =	sadd.s32 s0, s7  }
0xd: {  	s23 =	sadd.s32 s0, s8;
	s7 =	smul.u32 $0x180, s7;
	s26 =	sadd.s32 s0, s25  }
0xe: {  	s12 =	sadd.s32 s0, s11;
	s8 =	smul.u32 $0x180, s8;
	[dreg:$0x5] =	wrdreg s22  }
0xf: {  	s15 =	sadd.s32 s0, s14;
	s20 =	smul.u32 $0x180, s14;
	[dreg:$0x6] =	wrdreg s23  }
0x10: {  	s18 =	sadd.s32 s0, s17;
	s21 =	smul.u32 $0x180, s17;
	[dreg:$0x8] =	wrdreg s26  }
0x11: {  	s0 =	sadd.s32 s0, s5;
	s5 =	smul.u32 $0x180, s5;
	[dreg:$0xa] =	wrdreg s12  }
0x12: {  	s6 =	simm.s32 $0x7;
	s17 =	simm.s32 $0x4;
	[dreg:$0xc] =	wrdreg s15  }
0x13: {  	s14 =	simm.s32 $0xC980;
	s24 =	sadd.s32 s2, s9;
	[dreg:$0xe] =	wrdreg s18  }
0x14: {  	s9 =	smul.u32 $0x180, s25;
	[dreg:$0x10] =	wrdreg s0;
	s23 =	sshrl.u32 s4, $0x1  }
0x15: {  	s18 =	simm.s32 $0x2;
	s0 =	simm.s32 $0x180;
	s15 =	simm.s32 $0xC180  }
0x16: {  	s12 =	simm.s32 $0xF180;
	[dreg:$0x7] =	wrdreg s24;
	s10 =	sadd.s32 s2, s7  }
0x17: {  	s13 =	sadd.s32 s2, s8;
	s7 =	smul.u32 $0x180, s11;
	s22 =	sadd.s32 s2, s20  }
0x18: {  	s24 =	sadd.s32 s2, s21;
	s25 =	ssub.s32 s4, s23;
	[dreg:$0x9] =	wrdreg s10  }
0x19: {  	s26 =	sadd.s32 s2, s5;
	s4 =	sadd.s32 $0x100, s1;
	[dreg:$0xb] =	wrdreg s13  }
0x1a: {  	s21 =	simm.s32 $0x6;
	s20 =	simm.s32 $0x6180;
	[dreg:$0x11] =	wrdreg s22  }
0x1b: {  	s8 =	simm.s32 $0xD980;
	s11 =	simm.s32 $0xED80;
	[dreg:$0x12] =	wrdreg s24  }
0x1c: {  	s23 =	simm.s32 $0xF980;
	s16 =	sadd.s32 s2, s9;
	[dreg:$0x13] =	wrdreg s26  }
0x1d: {  	s5 =	smax.u32 s25, $0x1;
	s24 =	simm.s32 $0xCD80;
	s9 =	simm.s32 $0xE180  }
0x1e: {  	v2 =	vlaneseq.u32;
	s10 =	simm.s32 $0xE580;
	s25 =	simm.s32 $0xFD80;
	s26 =	simm.s32 $0x10580  }
0x1f: {  	vm0 =	vmmov $0xffff;
	vm1 =	vmmov $0xff;
	v1 =	vshrl.u32 v2, $0x3;
	[dreg:$0xd] =	wrdreg s16;
	s19 =	sadd.s32 s2, s7;
	s16 =	simm.s32 $0x1  }
0x20: {  	v0 =	vand.u32 $0x7, v2;
	v2 =	vor.u32 $0x8, v2;
	v1 =	vmul.u32 $0x8, v1;
	s7 =	simm.s32 $0x100;
	[dreg:$0xf] =	wrdreg s19;
	s19 =	simm.s32 $0x5  }
.LBB2_1:
0x21: {  	s22 =	rddreg [dreg:$0x4]  }
0x22: {  	[tilespmem:s3], [sflag:$0x7] =	stream.linear.gather [hbm4b:s22+s3], $0x40, $0x38;
	[tilespmem:$0x12180] =	vst v63  }
0x23: {  	_ =	swait.ge [sflag:s6], $0x40  }
0x24: {  	[sflag:s6] =	ssyncset.done $0x0  }
0x25: {  	[sflag:s6] =	ssyncadd.s32 $0xFFFFFFC0  }
0x26: {  	v3 =	vld [tilespmem:$0x0];
	_ =	sdelay $0x4  }
0x27: {  	v4 =	vshrl.u32 v3, $0x3  }
0x28: {  	v4 =	vmul.u32 $0x18, v4  }
0x29: {  	v3 =	vand.u32 $0x7, v3  }
0x2a: {  	v3 =	vor.u32 v3, v4  }
0x2b: {  	v4 =	vperm.xlane v3, v0;
	_ =	sdelay $0x1  }
0x2c: {  	v4 =	vadd.s32 v1, v4;
	_ =	sdelay $0x1  }
0x2d: {  	v3 =	vperm.xlane v3, v2;
	_ =	sdelay $0x1  }
0x2e: {  	v3 =	vadd.s32 v1, v3  }
0x2f: {  	[tilespmem:s0], [sflag:$0x1] =	stream.indirect_vreg.gather [hbm4b:s1+s3], $0x80, v4, vm0, $0xb8;
	[tilespmem:$0x12180] =	vst v63  }
0x30: {  	s2 =	simm.s32 $0x980  }
0x31: {  	[tilespmem:s2], [sflag:$0x1] =	stream.indirect_vreg.gather [hbm4b:s4+s3], $0x80, v4, vm1, $0xb8;
	[tilespmem:$0x12180] =	vst v63  }
0x32: {  	s22 =	simm.s32 $0xD80  }
0x33: {  	[tilespmem:s22], [sflag:$0x1] =	stream.indirect_vreg.gather [hbm4b:s1+s3], $0x80, v3, vm0, $0xb8;
	[tilespmem:$0x12180] =	vst v63  }
0x34: {  	s22 =	simm.s32 $0x1580  }
0x35: {  	[tilespmem:s22], [sflag:$0x1] =	stream.indirect_vreg.gather [hbm4b:s4+s3], $0x80, v3, vm1, $0xb8;
	[tilespmem:$0x12180] =	vst v63  }
0x36: {  	v3 =	vld [tilespmem:$0x10];
	_ =	sdelay $0x4  }
0x37: {  	v33 =	vshrl.u32 v3, $0x3  }
0x38: {  	v4 =	vmul.u32 $0x18, v33  }
0x39: {  	v3 =	vand.u32 $0x7, v3  }
0x3a: {  	v3 =	vor.u32 v3, v4  }
0x3b: {  	v4 =	vperm.xlane v3, v0;
	_ =	sdelay $0x1  }
0x3c: {  	v4 =	vadd.s32 v1, v4;
	_ =	sdelay $0x1  }
0x3d: {  	v3 =	vperm.xlane v3, v2;
	_ =	sdelay $0x1  }
0x3e: {  	s22 =	simm.s32 $0x1980;
	v3 =	vadd.s32 v1, v3  }
0x3f: {  	[tilespmem:s22], [sflag:$0x1] =	stream.indirect_vreg.gather [hbm4b:s1+s3], $0x80, v4, vm0, $0xb8;
	[tilespmem:$0x12180] =	vst v63  }
0x40: {  	s22 =	simm.s32 $0x2180  }
0x41: {  	[tilespmem:s22], [sflag:$0x1] =	stream.indirect_vreg.gather [hbm4b:s4+s3], $0x80, v4, vm1, $0xb8;
	[tilespmem:$0x12180] =	vst v63  }
0x42: {  	s22 =	simm.s32 $0x2580  }
0x43: {  	[tilespmem:s22], [sflag:$0x1] =	stream.indirect_vreg.gather [hbm4b:s1+s3], $0x80, v3, vm0, $0xb8;
	[tilespmem:$0x12180] =	vst v63  }
0x44: {  	s22 =	simm.s32 $0x2D80  }
0x45: {  	[tilespmem:s22], [sflag:$0x1] =	stream.indirect_vreg.gather [hbm4b:s4+s3], $0x80, v3, vm1, $0xb8;
	[tilespmem:$0x12180] =	vst v63  }
0x46: {  	v3 =	vld [tilespmem:$0x20];
	_ =	sdelay $0x4  }
0x47: {  	v34 =	vshrl.u32 v3, $0x3  }
0x48: {  	v4 =	vmul.u32 $0x18, v34  }
0x49: {  	v3 =	vand.u32 $0x7, v3  }
0x4a: {  	v3 =	vor.u32 v3, v4  }
0x4b: {  	v4 =	vperm.xlane v3, v0;
	_ =	sdelay $0x1  }
0x4c: {  	v4 =	vadd.s32 v1, v4;
	_ =	sdelay $0x1  }
0x4d: {  	v3 =	vperm.xlane v3, v2;
	_ =	sdelay $0x1  }
0x4e: {  	s22 =	simm.s32 $0x3180;
	v3 =	vadd.s32 v1, v3  }
0x4f: {  	[tilespmem:s22], [sflag:$0x1] =	stream.indirect_vreg.gather [hbm4b:s1+s3], $0x80, v4, vm0, $0xb8;
	[tilespmem:$0x12180] =	vst v63  }
0x50: {  	s22 =	simm.s32 $0x3980  }
0x51: {  	[tilespmem:s22], [sflag:$0x1] =	stream.indirect_vreg.gather [hbm4b:s4+s3], $0x80, v4, vm1, $0xb8;
	[tilespmem:$0x12180] =	vst v63  }
0x52: {  	s22 =	simm.s32 $0x3D80  }
0x53: {  	[tilespmem:s22], [sflag:$0x1] =	stream.indirect_vreg.gather [hbm4b:s1+s3], $0x80, v3, vm0, $0xb8;
	[tilespmem:$0x12180] =	vst v63  }
0x54: {  	s22 =	simm.s32 $0x4580  }
0x55: {  	[tilespmem:s22], [sflag:$0x1] =	stream.indirect_vreg.gather [hbm4b:s4+s3], $0x80, v3, vm1, $0xb8;
	[tilespmem:$0x12180] =	vst v63  }
0x56: {  	v3 =	vld [tilespmem:$0x30];
	_ =	sdelay $0x4  }
0x57: {  	v35 =	vshrl.u32 v3, $0x3  }
0x58: {  	v4 =	vmul.u32 $0x18, v35  }
0x59: {  	v3 =	vand.u32 $0x7, v3  }
0x5a: {  	v3 =	vor.u32 v3, v4  }
0x5b: {  	v4 =	vperm.xlane v3, v0;
	_ =	sdelay $0x1  }
0x5c: {  	v4 =	vadd.s32 v1, v4;
	_ =	sdelay $0x1  }
0x5d: {  	v3 =	vperm.xlane v3, v2;
	_ =	sdelay $0x1  }
0x5e: {  	s22 =	simm.s32 $0x4980;
	v3 =	vadd.s32 v1, v3  }
0x5f: {  	[tilespmem:s22], [sflag:$0x1] =	stream.indirect_vreg.gather [hbm4b:s1+s3], $0x80, v4, vm0, $0xb8;
	[tilespmem:$0x12180] =	vst v63  }
0x60: {  	s22 =	simm.s32 $0x5180  }
0x61: {  	[tilespmem:s22], [sflag:$0x1] =	stream.indirect_vreg.gather [hbm4b:s4+s3], $0x80, v4, vm1, $0xb8;
	[tilespmem:$0x12180] =	vst v63  }
0x62: {  	s22 =	simm.s32 $0x5580  }
0x63: {  	[tilespmem:s22], [sflag:$0x1] =	stream.indirect_vreg.gather [hbm4b:s1+s3], $0x80, v3, vm0, $0xb8;
	[tilespmem:$0x12180] =	vst v63  }
0x64: {  	s2 =	simm.s32 $0x5D80  }
0x65: {  	[tilespmem:s2], [sflag:$0x1] =	stream.indirect_vreg.gather [hbm4b:s4+s3], $0x80, v3, vm1, $0xb8;
	[tilespmem:$0x12180] =	vst v63  }
0x66: {  	s22 =	rddreg [dreg:$0x5];
	s2 =	simm.s32 $0x80  }
0x67: {  	[tilespmem:s2], [sflag:$0x7] =	stream.linear.gather [hbm4b:s22+s3], $0x40, $0x38;
	[tilespmem:$0x12180] =	vst v63  }
0x68: {  	_ =	swait.ge [sflag:s6], $0x40  }
0x69: {  	[sflag:s6] =	ssyncset.done $0x0  }
0x6a: {  	[sflag:s6] =	ssyncadd.s32 $0xFFFFFFC0  }
0x6b: {  	v3 =	vld [tilespmem:$0x80];
	_ =	sdelay $0x4  }
0x6c: {  	v36 =	vshrl.u32 v3, $0x3  }
0x6d: {  	v4 =	vmul.u32 $0x18, v36  }
0x6e: {  	v3 =	vand.u32 $0x7, v3  }
0x6f: {  	v3 =	vor.u32 v3, v4  }
0x70: {  	v4 =	vperm.xlane v3, v0;
	_ =	sdelay $0x1  }
0x71: {  	v4 =	vadd.s32 v1, v4;
	_ =	sdelay $0x1  }
0x72: {  	v3 =	vperm.xlane v3, v2;
	_ =	sdelay $0x1  }
0x73: {  	v3 =	vadd.s32 v1, v3  }
0x74: {  	[tilespmem:s20], [sflag:$0x2] =	stream.indirect_vreg.gather [hbm4b:s1+s3], $0x80, v4, vm0, $0xb8;
	[tilespmem:$0x12180] =	vst v63  }
0x75: {  	s22 =	simm.s32 $0x6980  }
0x76: {  	[tilespmem:s22], [sflag:$0x2] =	stream.indirect_vreg.gather [hbm4b:s4+s3], $0x80, v4, vm1, $0xb8;
	[tilespmem:$0x12180] =	vst v63  }
0x77: {  	s22 =	simm.s32 $0x6D80  }
0x78: {  	[tilespmem:s22], [sflag:$0x2] =	stream.indirect_vreg.gather [hbm4b:s1+s3], $0x80, v3, vm0, $0xb8;
	[tilespmem:$0x12180] =	vst v63  }
0x79: {  	s22 =	simm.s32 $0x7580  }
0x7a: {  	[tilespmem:s22], [sflag:$0x2] =	stream.indirect_vreg.gather [hbm4b:s4+s3], $0x80, v3, vm1, $0xb8;
	[tilespmem:$0x12180] =	vst v63  }
0x7b: {  	v3 =	vld [tilespmem:$0x90];
	_ =	sdelay $0x4  }
0x7c: {  	v37 =	vshrl.u32 v3, $0x3  }
0x7d: {  	v4 =	vmul.u32 $0x18, v37  }
0x7e: {  	v3 =	vand.u32 $0x7, v3  }
0x7f: {  	v3 =	vor.u32 v3, v4  }
0x80: {  	v4 =	vperm.xlane v3, v0;
	_ =	sdelay $0x1  }
0x81: {  	v4 =	vadd.s32 v1, v4;
	_ =	sdelay $0x1  }
0x82: {  	v3 =	vperm.xlane v3, v2;
	_ =	sdelay $0x1  }
0x83: {  	s22 =	simm.s32 $0x7980;
	v3 =	vadd.s32 v1, v3  }
0x84: {  	[tilespmem:s22], [sflag:$0x2] =	stream.indirect_vreg.gather [hbm4b:s1+s3], $0x80, v4, vm0, $0xb8;
	[tilespmem:$0x12180] =	vst v63  }
0x85: {  	s22 =	simm.s32 $0x8180  }
0x86: {  	[tilespmem:s22], [sflag:$0x2] =	stream.indirect_vreg.gather [hbm4b:s4+s3], $0x80, v4, vm1, $0xb8;
	[tilespmem:$0x12180] =	vst v63  }
0x87: {  	s22 =	simm.s32 $0x8580  }
0x88: {  	[tilespmem:s22], [sflag:$0x2] =	stream.indirect_vreg.gather [hbm4b:s1+s3], $0x80, v3, vm0, $0xb8;
	[tilespmem:$0x12180] =	vst v63  }
0x89: {  	s22 =	simm.s32 $0x8D80  }
0x8a: {  	[tilespmem:s22], [sflag:$0x2] =	stream.indirect_vreg.gather [hbm4b:s4+s3], $0x80, v3, vm1, $0xb8;
	[tilespmem:$0x12180] =	vst v63  }
0x8b: {  	v3 =	vld [tilespmem:$0xA0];
	_ =	sdelay $0x4  }
0x8c: {  	v38 =	vshrl.u32 v3, $0x3  }
0x8d: {  	v4 =	vmul.u32 $0x18, v38  }
0x8e: {  	v3 =	vand.u32 $0x7, v3  }
0x8f: {  	v3 =	vor.u32 v3, v4  }
0x90: {  	v4 =	vperm.xlane v3, v0;
	_ =	sdelay $0x1  }
0x91: {  	v4 =	vadd.s32 v1, v4;
	_ =	sdelay $0x1  }
0x92: {  	v3 =	vperm.xlane v3, v2;
	_ =	sdelay $0x1  }
0x93: {  	s22 =	simm.s32 $0x9180;
	v3 =	vadd.s32 v1, v3  }
0x94: {  	[tilespmem:s22], [sflag:$0x2] =	stream.indirect_vreg.gather [hbm4b:s1+s3], $0x80, v4, vm0, $0xb8;
	[tilespmem:$0x12180] =	vst v63  }
0x95: {  	s22 =	simm.s32 $0x9980  }
0x96: {  	[tilespmem:s22], [sflag:$0x2] =	stream.indirect_vreg.gather [hbm4b:s4+s3], $0x80, v4, vm1, $0xb8;
	[tilespmem:$0x12180] =	vst v63  }
0x97: {  	s22 =	simm.s32 $0x9D80  }
0x98: {  	[tilespmem:s22], [sflag:$0x2] =	stream.indirect_vreg.gather [hbm4b:s1+s3], $0x80, v3, vm0, $0xb8;
	[tilespmem:$0x12180] =	vst v63  }
0x99: {  	s22 =	simm.s32 $0xA580  }
0x9a: {  	[tilespmem:s22], [sflag:$0x2] =	stream.indirect_vreg.gather [hbm4b:s4+s3], $0x80, v3, vm1, $0xb8;
	[tilespmem:$0x12180] =	vst v63  }
0x9b: {  	v3 =	vld [tilespmem:$0xB0];
	_ =	sdelay $0x4  }
0x9c: {  	v39 =	vshrl.u32 v3, $0x3  }
0x9d: {  	v4 =	vmul.u32 $0x18, v39  }
0x9e: {  	v3 =	vand.u32 $0x7, v3  }
0x9f: {  	v3 =	vor.u32 v3, v4  }
0xa0: {  	v4 =	vperm.xlane v3, v0;
	_ =	sdelay $0x1  }
0xa1: {  	v4 =	vadd.s32 v1, v4;
	_ =	sdelay $0x1  }
0xa2: {  	v3 =	vperm.xlane v3, v2;
	_ =	sdelay $0x1  }
0xa3: {  	s22 =	simm.s32 $0xA980;
	v3 =	vadd.s32 v1, v3  }
0xa4: {  	[tilespmem:s22], [sflag:$0x2] =	stream.indirect_vreg.gather [hbm4b:s1+s3], $0x80, v4, vm0, $0xb8;
	[tilespmem:$0x12180] =	vst v63  }
0xa5: {  	s22 =	simm.s32 $0xB180  }
0xa6: {  	[tilespmem:s22], [sflag:$0x2] =	stream.indirect_vreg.gather [hbm4b:s4+s3], $0x80, v4, vm1, $0xb8;
	[tilespmem:$0x12180] =	vst v63  }
0xa7: {  	s22 =	simm.s32 $0xB580  }
0xa8: {  	[tilespmem:s22], [sflag:$0x2] =	stream.indirect_vreg.gather [hbm4b:s1+s3], $0x80, v3, vm0, $0xb8;
	[tilespmem:$0x12180] =	vst v63  }
0xa9: {  	s2 =	simm.s32 $0xBD80  }
0xaa: {  	[tilespmem:s2], [sflag:$0x2] =	stream.indirect_vreg.gather [hbm4b:s4+s3], $0x80, v3, vm1, $0xb8;
	[tilespmem:$0x12180] =	vst v63  }
0xab: {  	s22 =	rddreg [dreg:$0x6]  }
0xac: {  	[tilespmem:s7], [sflag:$0x7] =	stream.linear.gather [hbm4b:s22+s3], $0x40, $0x38;
	[tilespmem:$0x12180] =	vst v63  }
0xad: {  	_ =	swait.ge [sflag:s6], $0x40  }
0xae: {  	[sflag:s6] =	ssyncset.done $0x0  }
0xaf: {  	[sflag:s6] =	ssyncadd.s32 $0xFFFFFFC0  }
0xb0: {  	v3 =	vld [tilespmem:$0x100];
	_ =	sdelay $0x4  }
0xb1: {  	v40 =	vshrl.u32 v3, $0x3  }
0xb2: {  	v4 =	vmul.u32 $0x18, v40  }
0xb3: {  	v3 =	vand.u32 $0x7, v3  }
0xb4: {  	v3 =	vor.u32 v3, v4  }
0xb5: {  	v4 =	vperm.xlane v3, v0;
	_ =	sdelay $0x1  }
0xb6: {  	v4 =	vadd.s32 v1, v4;
	_ =	sdelay $0x1  }
0xb7: {  	v3 =	vperm.xlane v3, v2;
	_ =	sdelay $0x1  }
0xb8: {  	v3 =	vadd.s32 v1, v3  }
0xb9: {  	[tilespmem:s15], [sflag:$0x3] =	stream.indirect_vreg.gather [hbm4b:s1+s3], $0x80, v4, vm0, $0xb8;
	[tilespmem:$0x12180] =	vst v63  }
0xba: {  	_ = 	snop  }
0xbb: {  	[tilespmem:s14], [sflag:$0x3] =	stream.indirect_vreg.gather [hbm4b:s4+s3], $0x80, v4, vm1, $0xb8;
	[tilespmem:$0x12180] =	vst v63  }
0xbc: {  	_ = 	snop  }
0xbd: {  	[tilespmem:s24], [sflag:$0x3] =	stream.indirect_vreg.gather [hbm4b:s1+s3], $0x80, v3, vm0, $0xb8;
	[tilespmem:$0x12180] =	vst v63  }
0xbe: {  	s2 =	simm.s32 $0xD580  }
0xbf: {  	[tilespmem:s2], [sflag:$0x3] =	stream.indirect_vreg.gather [hbm4b:s4+s3], $0x80, v3, vm1, $0xb8;
	[tilespmem:$0x12180] =	vst v63  }
0xc0: {  	v3 =	vld [tilespmem:$0x110];
	_ =	sdelay $0x4  }
0xc1: {  	v41 =	vshrl.u32 v3, $0x3  }
0xc2: {  	v4 =	vmul.u32 $0x18, v41  }
0xc3: {  	v3 =	vand.u32 $0x7, v3  }
0xc4: {  	v3 =	vor.u32 v3, v4  }
0xc5: {  	v4 =	vperm.xlane v3, v0;
	_ =	sdelay $0x1  }
0xc6: {  	v4 =	vadd.s32 v1, v4;
	_ =	sdelay $0x1  }
0xc7: {  	v3 =	vperm.xlane v3, v2;
	_ =	sdelay $0x1  }
0xc8: {  	v3 =	vadd.s32 v1, v3  }
0xc9: {  	[tilespmem:s8], [sflag:$0x3] =	stream.indirect_vreg.gather [hbm4b:s1+s3], $0x80, v4, vm0, $0xb8;
	[tilespmem:$0x12180] =	vst v63  }
0xca: {  	_ = 	snop  }
0xcb: {  	[tilespmem:s9], [sflag:$0x3] =	stream.indirect_vreg.gather [hbm4b:s4+s3], $0x80, v4, vm1, $0xb8;
	[tilespmem:$0x12180] =	vst v63  }
0xcc: {  	_ = 	snop  }
0xcd: {  	[tilespmem:s10], [sflag:$0x3] =	stream.indirect_vreg.gather [hbm4b:s1+s3], $0x80, v3, vm0, $0xb8;
	[tilespmem:$0x12180] =	vst v63  }
0xce: {  	_ = 	snop  }
0xcf: {  	[tilespmem:s11], [sflag:$0x3] =	stream.indirect_vreg.gather [hbm4b:s4+s3], $0x80, v3, vm1, $0xb8;
	[tilespmem:$0x12180] =	vst v63  }
0xd0: {  	v3 =	vld [tilespmem:$0x120];
	_ =	sdelay $0x4  }
0xd1: {  	v42 =	vshrl.u32 v3, $0x3  }
0xd2: {  	v4 =	vmul.u32 $0x18, v42  }
0xd3: {  	v3 =	vand.u32 $0x7, v3  }
0xd4: {  	v3 =	vor.u32 v3, v4  }
0xd5: {  	v4 =	vperm.xlane v3, v0;
	_ =	sdelay $0x1  }
0xd6: {  	v4 =	vadd.s32 v1, v4;
	_ =	sdelay $0x1  }
0xd7: {  	v3 =	vperm.xlane v3, v2;
	_ =	sdelay $0x1  }
0xd8: {  	v3 =	vadd.s32 v1, v3  }
0xd9: {  	[tilespmem:s12], [sflag:$0x3] =	stream.indirect_vreg.gather [hbm4b:s1+s3], $0x80, v4, vm0, $0xb8;
	[tilespmem:$0x12180] =	vst v63  }
0xda: {  	_ = 	snop  }
0xdb: {  	[tilespmem:s23], [sflag:$0x3] =	stream.indirect_vreg.gather [hbm4b:s4+s3], $0x80, v4, vm1, $0xb8;
	[tilespmem:$0x12180] =	vst v63  }
0xdc: {  	_ = 	snop  }
0xdd: {  	[tilespmem:s25], [sflag:$0x3] =	stream.indirect_vreg.gather [hbm4b:s1+s3], $0x80, v3, vm0, $0xb8;
	[tilespmem:$0x12180] =	vst v63  }
0xde: {  	_ = 	snop  }
0xdf: {  	[tilespmem:s26], [sflag:$0x3] =	stream.indirect_vreg.gather [hbm4b:s4+s3], $0x80, v3, vm1, $0xb8;
	[tilespmem:$0x12180] =	vst v63  }
0xe0: {  	v3 =	vld [tilespmem:$0x130];
	_ =	sdelay $0x4  }
0xe1: {  	v43 =	vshrl.u32 v3, $0x3  }
0xe2: {  	v4 =	vmul.u32 $0x18, v43  }
0xe3: {  	v3 =	vand.u32 $0x7, v3  }
0xe4: {  	v3 =	vor.u32 v3, v4  }
0xe5: {  	v4 =	vperm.xlane v3, v0;
	_ =	sdelay $0x1  }
0xe6: {  	v4 =	vadd.s32 v1, v4;
	_ =	sdelay $0x1  }
0xe7: {  	v3 =	vperm.xlane v3, v2;
	_ =	sdelay $0x1  }
0xe8: {  	v3 =	vadd.s32 v1, v3  }
0xe9: {  	[tilespmem:s28], [sflag:$0x3] =	stream.indirect_vreg.gather [hbm4b:s1+s3], $0x80, v4, vm0, $0xb8;
	[tilespmem:$0x12180] =	vst v63  }
0xea: {  	_ = 	snop  }
0xeb: {  	[tilespmem:s29], [sflag:$0x3] =	stream.indirect_vreg.gather [hbm4b:s4+s3], $0x80, v4, vm1, $0xb8;
	[tilespmem:$0x12180] =	vst v63  }
0xec: {  	_ = 	snop  }
0xed: {  	[tilespmem:s30], [sflag:$0x3] =	stream.indirect_vreg.gather [hbm4b:s1+s3], $0x80, v3, vm0, $0xb8;
	[tilespmem:$0x12180] =	vst v63  }
0xee: {  	_ = 	snop  }
0xef: {  	[tilespmem:s31], [sflag:$0x3] =	stream.indirect_vreg.gather [hbm4b:s4+s3], $0x80, v3, vm1, $0xb8;
	[tilespmem:$0x12180] =	vst v63  }
0xf0: {  	_ =	swait.ge [sflag:s16], $0x6000  }
0xf1: {  	[sflag:s16] =	ssyncset.done $0x0  }
0xf2: {  	s22 =	rddreg [dreg:$0x7];
	[sflag:s16] =	ssyncadd.s32 $0xFFFFA000  }
0xf3: {  	[hbm4b:s22+s3] =	stream.linear.scatter [tilespmem:s0], [sflag:$0x4], $0x6000, $0x38;
	[tilespmem:$0x12180] =	vst v63  }
0xf4: {  	_ =	swait.ge [sflag:s17], $0x6000  }
0xf5: {  	[sflag:s17] =	ssyncset.done $0x0  }
0xf6: {  	s22 =	rddreg [dreg:$0x8];
	[sflag:s17] =	ssyncadd.s32 $0xFFFFA000  }
0xf7: {  	[tilespmem:s3], [sflag:$0x7] =	stream.linear.gather [hbm4b:s22+s3], $0x40, $0x38;
	[tilespmem:$0x12180] =	vst v63  }
0xf8: {  	_ =	swait.ge [sflag:s6], $0x40  }
0xf9: {  	[sflag:s6] =	ssyncset.done $0x0  }
0xfa: {  	[sflag:s6] =	ssyncadd.s32 $0xFFFFFFC0  }
0xfb: {  	v3 =	vld [tilespmem:$0x0];
	_ =	sdelay $0x4  }
0xfc: {  	v44 =	vshrl.u32 v3, $0x3  }
0xfd: {  	v4 =	vmul.u32 $0x18, v44  }
0xfe: {  	v3 =	vand.u32 $0x7, v3  }
0xff: {  	v3 =	vor.u32 v3, v4  }
0x100: {  	v4 =	vperm.xlane v3, v0;
	_ =	sdelay $0x1  }
0x101: {  	v4 =	vadd.s32 v1, v4;
	_ =	sdelay $0x1  }
0x102: {  	v3 =	vperm.xlane v3, v2;
	_ =	sdelay $0x1  }
0x103: {  	v3 =	vadd.s32 v1, v3  }
0x104: {  	[tilespmem:s0], [sflag:$0x1] =	stream.indirect_vreg.gather [hbm4b:s1+s3], $0x80, v4, vm0, $0xb8;
	[tilespmem:$0x12180] =	vst v63  }
0x105: {  	s13 =	simm.s32 $0x980  }
0x106: {  	[tilespmem:s13], [sflag:$0x1] =	stream.indirect_vreg.gather [hbm4b:s4+s3], $0x80, v4, vm1, $0xb8;
	[tilespmem:$0x12180] =	vst v63  }
0x107: {  	s22 =	simm.s32 $0xD80  }
0x108: {  	[tilespmem:s22], [sflag:$0x1] =	stream.indirect_vreg.gather [hbm4b:s1+s3], $0x80, v3, vm0, $0xb8;
	[tilespmem:$0x12180] =	vst v63  }
0x109: {  	s22 =	simm.s32 $0x1580  }
0x10a: {  	[tilespmem:s22], [sflag:$0x1] =	stream.indirect_vreg.gather [hbm4b:s4+s3], $0x80, v3, vm1, $0xb8;
	[tilespmem:$0x12180] =	vst v63  }
0x10b: {  	v3 =	vld [tilespmem:$0x10];
	_ =	sdelay $0x4  }
0x10c: {  	v45 =	vshrl.u32 v3, $0x3  }
0x10d: {  	v4 =	vmul.u32 $0x18, v45  }
0x10e: {  	v3 =	vand.u32 $0x7, v3  }
0x10f: {  	v3 =	vor.u32 v3, v4  }
0x110: {  	v4 =	vperm.xlane v3, v0;
	_ =	sdelay $0x1  }
0x111: {  	v4 =	vadd.s32 v1, v4;
	_ =	sdelay $0x1  }
0x112: {  	v3 =	vperm.xlane v3, v2;
	_ =	sdelay $0x1  }
0x113: {  	s22 =	simm.s32 $0x1980;
	v3 =	vadd.s32 v1, v3  }
0x114: {  	[tilespmem:s22], [sflag:$0x1] =	stream.indirect_vreg.gather [hbm4b:s1+s3], $0x80, v4, vm0, $0xb8;
	[tilespmem:$0x12180] =	vst v63  }
0x115: {  	s22 =	simm.s32 $0x2180  }
0x116: {  	[tilespmem:s22], [sflag:$0x1] =	stream.indirect_vreg.gather [hbm4b:s4+s3], $0x80, v4, vm1, $0xb8;
	[tilespmem:$0x12180] =	vst v63  }
0x117: {  	s22 =	simm.s32 $0x2580  }
0x118: {  	[tilespmem:s22], [sflag:$0x1] =	stream.indirect_vreg.gather [hbm4b:s1+s3], $0x80, v3, vm0, $0xb8;
	[tilespmem:$0x12180] =	vst v63  }
0x119: {  	s22 =	simm.s32 $0x2D80  }
0x11a: {  	[tilespmem:s22], [sflag:$0x1] =	stream.indirect_vreg.gather [hbm4b:s4+s3], $0x80, v3, vm1, $0xb8;
	[tilespmem:$0x12180] =	vst v63  }
0x11b: {  	v3 =	vld [tilespmem:$0x20];
	_ =	sdelay $0x4  }
0x11c: {  	v46 =	vshrl.u32 v3, $0x3  }
0x11d: {  	v4 =	vmul.u32 $0x18, v46  }
0x11e: {  	v3 =	vand.u32 $0x7, v3  }
0x11f: {  	v3 =	vor.u32 v3, v4  }
0x120: {  	v4 =	vperm.xlane v3, v0;
	_ =	sdelay $0x1  }
0x121: {  	v4 =	vadd.s32 v1, v4;
	_ =	sdelay $0x1  }
0x122: {  	v3 =	vperm.xlane v3, v2;
	_ =	sdelay $0x1  }
0x123: {  	s22 =	simm.s32 $0x3180;
	v3 =	vadd.s32 v1, v3  }
0x124: {  	[tilespmem:s22], [sflag:$0x1] =	stream.indirect_vreg.gather [hbm4b:s1+s3], $0x80, v4, vm0, $0xb8;
	[tilespmem:$0x12180] =	vst v63  }
0x125: {  	s22 =	simm.s32 $0x3980  }
0x126: {  	[tilespmem:s22], [sflag:$0x1] =	stream.indirect_vreg.gather [hbm4b:s4+s3], $0x80, v4, vm1, $0xb8;
	[tilespmem:$0x12180] =	vst v63  }
0x127: {  	s22 =	simm.s32 $0x3D80  }
0x128: {  	[tilespmem:s22], [sflag:$0x1] =	stream.indirect_vreg.gather [hbm4b:s1+s3], $0x80, v3, vm0, $0xb8;
	[tilespmem:$0x12180] =	vst v63  }
0x129: {  	s22 =	simm.s32 $0x4580  }
0x12a: {  	[tilespmem:s22], [sflag:$0x1] =	stream.indirect_vreg.gather [hbm4b:s4+s3], $0x80, v3, vm1, $0xb8;
	[tilespmem:$0x12180] =	vst v63  }
0x12b: {  	v3 =	vld [tilespmem:$0x30];
	_ =	sdelay $0x4  }
0x12c: {  	v47 =	vshrl.u32 v3, $0x3  }
0x12d: {  	v4 =	vmul.u32 $0x18, v47  }
0x12e: {  	v3 =	vand.u32 $0x7, v3  }
0x12f: {  	v3 =	vor.u32 v3, v4  }
0x130: {  	v4 =	vperm.xlane v3, v0;
	_ =	sdelay $0x1  }
0x131: {  	v4 =	vadd.s32 v1, v4;
	_ =	sdelay $0x1  }
0x132: {  	v3 =	vperm.xlane v3, v2;
	_ =	sdelay $0x1  }
0x133: {  	s22 =	simm.s32 $0x4980;
	v3 =	vadd.s32 v1, v3  }
0x134: {  	[tilespmem:s22], [sflag:$0x1] =	stream.indirect_vreg.gather [hbm4b:s1+s3], $0x80, v4, vm0, $0xb8;
	[tilespmem:$0x12180] =	vst v63  }
0x135: {  	s22 =	simm.s32 $0x5180  }
0x136: {  	[tilespmem:s22], [sflag:$0x1] =	stream.indirect_vreg.gather [hbm4b:s4+s3], $0x80, v4, vm1, $0xb8;
	[tilespmem:$0x12180] =	vst v63  }
0x137: {  	s22 =	simm.s32 $0x5580  }
0x138: {  	[tilespmem:s22], [sflag:$0x1] =	stream.indirect_vreg.gather [hbm4b:s1+s3], $0x80, v3, vm0, $0xb8;
	[tilespmem:$0x12180] =	vst v63  }
0x139: {  	s22 =	simm.s32 $0x5D80  }
0x13a: {  	[tilespmem:s22], [sflag:$0x1] =	stream.indirect_vreg.gather [hbm4b:s4+s3], $0x80, v3, vm1, $0xb8;
	[tilespmem:$0x12180] =	vst v63  }
0x13b: {  	_ =	swait.ge [sflag:s18], $0x6000  }
0x13c: {  	[sflag:s18] =	ssyncset.done $0x0  }
0x13d: {  	s13 =	rddreg [dreg:$0x9];
	[sflag:s18] =	ssyncadd.s32 $0xFFFFA000  }
0x13e: {  	[hbm4b:s13+s3] =	stream.linear.scatter [tilespmem:s20], [sflag:$0x5], $0x6000, $0x38;
	[tilespmem:$0x12180] =	vst v63  }
0x13f: {  	_ =	swait.ge [sflag:s19], $0x6000  }
0x140: {  	[sflag:s19] =	ssyncset.done $0x0  }
0x141: {  	s13 =	simm.s32 $0x80;
	s22 =	rddreg [dreg:$0xa];
	[sflag:s19] =	ssyncadd.s32 $0xFFFFA000  }
0x142: {  	[tilespmem:s13], [sflag:$0x7] =	stream.linear.gather [hbm4b:s22+s3], $0x40, $0x38;
	[tilespmem:$0x12180] =	vst v63  }
0x143: {  	_ =	swait.ge [sflag:s6], $0x40  }
0x144: {  	[sflag:s6] =	ssyncset.done $0x0  }
0x145: {  	[sflag:s6] =	ssyncadd.s32 $0xFFFFFFC0  }
0x146: {  	v3 =	vld [tilespmem:$0x80];
	_ =	sdelay $0x4  }
0x147: {  	v48 =	vshrl.u32 v3, $0x3  }
0x148: {  	v4 =	vmul.u32 $0x18, v48  }
0x149: {  	v3 =	vand.u32 $0x7, v3  }
0x14a: {  	v3 =	vor.u32 v3, v4  }
0x14b: {  	v4 =	vperm.xlane v3, v0;
	_ =	sdelay $0x1  }
0x14c: {  	v4 =	vadd.s32 v1, v4;
	_ =	sdelay $0x1  }
0x14d: {  	v3 =	vperm.xlane v3, v2;
	_ =	sdelay $0x1  }
0x14e: {  	v3 =	vadd.s32 v1, v3  }
0x14f: {  	[tilespmem:s20], [sflag:$0x2] =	stream.indirect_vreg.gather [hbm4b:s1+s3], $0x80, v4, vm0, $0xb8;
	[tilespmem:$0x12180] =	vst v63  }
0x150: {  	s13 =	simm.s32 $0x6980  }
0x151: {  	[tilespmem:s13], [sflag:$0x2] =	stream.indirect_vreg.gather [hbm4b:s4+s3], $0x80, v4, vm1, $0xb8;
	[tilespmem:$0x12180] =	vst v63  }
0x152: {  	s13 =	simm.s32 $0x6D80  }
0x153: {  	[tilespmem:s13], [sflag:$0x2] =	stream.indirect_vreg.gather [hbm4b:s1+s3], $0x80, v3, vm0, $0xb8;
	[tilespmem:$0x12180] =	vst v63  }
0x154: {  	s22 =	simm.s32 $0x7580  }
0x155: {  	[tilespmem:s22], [sflag:$0x2] =	stream.indirect_vreg.gather [hbm4b:s4+s3], $0x80, v3, vm1, $0xb8;
	[tilespmem:$0x12180] =	vst v63  }
0x156: {  	v3 =	vld [tilespmem:$0x90];
	_ =	sdelay $0x4  }
0x157: {  	v49 =	vshrl.u32 v3, $0x3  }
0x158: {  	v4 =	vmul.u32 $0x18, v49  }
0x159: {  	v3 =	vand.u32 $0x7, v3  }
0x15a: {  	v3 =	vor.u32 v3, v4  }
0x15b: {  	v4 =	vperm.xlane v3, v0;
	_ =	sdelay $0x1  }
0x15c: {  	v4 =	vadd.s32 v1, v4;
	_ =	sdelay $0x1  }
0x15d: {  	v3 =	vperm.xlane v3, v2;
	_ =	sdelay $0x1  }
0x15e: {  	s13 =	simm.s32 $0x7980;
	v3 =	vadd.s32 v1, v3  }
0x15f: {  	[tilespmem:s13], [sflag:$0x2] =	stream.indirect_vreg.gather [hbm4b:s1+s3], $0x80, v4, vm0, $0xb8;
	[tilespmem:$0x12180] =	vst v63  }
0x160: {  	s13 =	simm.s32 $0x8180  }
0x161: {  	[tilespmem:s13], [sflag:$0x2] =	stream.indirect_vreg.gather [hbm4b:s4+s3], $0x80, v4, vm1, $0xb8;
	[tilespmem:$0x12180] =	vst v63  }
0x162: {  	s13 =	simm.s32 $0x8580  }
0x163: {  	[tilespmem:s13], [sflag:$0x2] =	stream.indirect_vreg.gather [hbm4b:s1+s3], $0x80, v3, vm0, $0xb8;
	[tilespmem:$0x12180] =	vst v63  }
0x164: {  	s22 =	simm.s32 $0x8D80  }
0x165: {  	[tilespmem:s22], [sflag:$0x2] =	stream.indirect_vreg.gather [hbm4b:s4+s3], $0x80, v3, vm1, $0xb8;
	[tilespmem:$0x12180] =	vst v63  }
0x166: {  	v3 =	vld [tilespmem:$0xA0];
	_ =	sdelay $0x4  }
0x167: {  	v50 =	vshrl.u32 v3, $0x3  }
0x168: {  	v4 =	vmul.u32 $0x18, v50  }
0x169: {  	v3 =	vand.u32 $0x7, v3  }
0x16a: {  	v3 =	vor.u32 v3, v4  }
0x16b: {  	v4 =	vperm.xlane v3, v0;
	_ =	sdelay $0x1  }
0x16c: {  	v4 =	vadd.s32 v1, v4;
	_ =	sdelay $0x1  }
0x16d: {  	v3 =	vperm.xlane v3, v2;
	_ =	sdelay $0x1  }
0x16e: {  	s13 =	simm.s32 $0x9180;
	v3 =	vadd.s32 v1, v3  }
0x16f: {  	[tilespmem:s13], [sflag:$0x2] =	stream.indirect_vreg.gather [hbm4b:s1+s3], $0x80, v4, vm0, $0xb8;
	[tilespmem:$0x12180] =	vst v63  }
0x170: {  	s13 =	simm.s32 $0x9980  }
0x171: {  	[tilespmem:s13], [sflag:$0x2] =	stream.indirect_vreg.gather [hbm4b:s4+s3], $0x80, v4, vm1, $0xb8;
	[tilespmem:$0x12180] =	vst v63  }
0x172: {  	s13 =	simm.s32 $0x9D80  }
0x173: {  	[tilespmem:s13], [sflag:$0x2] =	stream.indirect_vreg.gather [hbm4b:s1+s3], $0x80, v3, vm0, $0xb8;
	[tilespmem:$0x12180] =	vst v63  }
0x174: {  	s22 =	simm.s32 $0xA580  }
0x175: {  	[tilespmem:s22], [sflag:$0x2] =	stream.indirect_vreg.gather [hbm4b:s4+s3], $0x80, v3, vm1, $0xb8;
	[tilespmem:$0x12180] =	vst v63  }
0x176: {  	v3 =	vld [tilespmem:$0xB0];
	_ =	sdelay $0x4  }
0x177: {  	v51 =	vshrl.u32 v3, $0x3  }
0x178: {  	v4 =	vmul.u32 $0x18, v51  }
0x179: {  	v3 =	vand.u32 $0x7, v3  }
0x17a: {  	v3 =	vor.u32 v3, v4  }
0x17b: {  	v4 =	vperm.xlane v3, v0;
	_ =	sdelay $0x1  }
0x17c: {  	v4 =	vadd.s32 v1, v4;
	_ =	sdelay $0x1  }
0x17d: {  	v3 =	vperm.xlane v3, v2;
	_ =	sdelay $0x1  }
0x17e: {  	s13 =	simm.s32 $0xA980;
	v3 =	vadd.s32 v1, v3  }
0x17f: {  	[tilespmem:s13], [sflag:$0x2] =	stream.indirect_vreg.gather [hbm4b:s1+s3], $0x80, v4, vm0, $0xb8;
	[tilespmem:$0x12180] =	vst v63  }
0x180: {  	s13 =	simm.s32 $0xB180  }
0x181: {  	[tilespmem:s13], [sflag:$0x2] =	stream.indirect_vreg.gather [hbm4b:s4+s3], $0x80, v4, vm1, $0xb8;
	[tilespmem:$0x12180] =	vst v63  }
0x182: {  	s22 =	simm.s32 $0xB580  }
0x183: {  	[tilespmem:s22], [sflag:$0x2] =	stream.indirect_vreg.gather [hbm4b:s1+s3], $0x80, v3, vm0, $0xb8;
	[tilespmem:$0x12180] =	vst v63  }
0x184: {  	s13 =	simm.s32 $0x3;
	s22 =	simm.s32 $0xBD80  }
0x185: {  	[tilespmem:s22], [sflag:$0x2] =	stream.indirect_vreg.gather [hbm4b:s4+s3], $0x80, v3, vm1, $0xb8;
	[tilespmem:$0x12180] =	vst v63  }
0x186: {  	_ =	swait.ge [sflag:s13], $0x6000  }
0x187: {  	[sflag:s13] =	ssyncset.done $0x0  }
0x188: {  	s22 =	rddreg [dreg:$0xb];
	[sflag:s13] =	ssyncadd.s32 $0xFFFFA000  }
0x189: {  	[hbm4b:s22+s3] =	stream.linear.scatter [tilespmem:s15], [sflag:$0x6], $0x6000, $0x38;
	[tilespmem:$0x12180] =	vst v63  }
0x18a: {  	_ =	swait.ge [sflag:s21], $0x6000  }
0x18b: {  	[sflag:s21] =	ssyncset.done $0x0  }
0x18c: {  	s22 =	rddreg [dreg:$0xc];
	[sflag:s21] =	ssyncadd.s32 $0xFFFFA000  }
0x18d: {  	[tilespmem:s7], [sflag:$0x7] =	stream.linear.gather [hbm4b:s22+s3], $0x40, $0x38;
	[tilespmem:$0x12180] =	vst v63  }
0x18e: {  	_ =	swait.ge [sflag:s6], $0x40  }
0x18f: {  	[sflag:s6] =	ssyncset.done $0x0  }
0x190: {  	[sflag:s6] =	ssyncadd.s32 $0xFFFFFFC0  }
0x191: {  	v3 =	vld [tilespmem:$0x100];
	_ =	sdelay $0x4  }
0x192: {  	v52 =	vshrl.u32 v3, $0x3  }
0x193: {  	v4 =	vmul.u32 $0x18, v52  }
0x194: {  	v3 =	vand.u32 $0x7, v3  }
0x195: {  	v3 =	vor.u32 v3, v4  }
0x196: {  	v4 =	vperm.xlane v3, v0;
	_ =	sdelay $0x1  }
0x197: {  	v4 =	vadd.s32 v1, v4;
	_ =	sdelay $0x1  }
0x198: {  	v3 =	vperm.xlane v3, v2;
	_ =	sdelay $0x1  }
0x199: {  	v3 =	vadd.s32 v1, v3  }
0x19a: {  	[tilespmem:s15], [sflag:$0x3] =	stream.indirect_vreg.gather [hbm4b:s1+s3], $0x80, v4, vm0, $0xb8;
	[tilespmem:$0x12180] =	vst v63  }
0x19b: {  	_ = 	snop  }
0x19c: {  	[tilespmem:s14], [sflag:$0x3] =	stream.indirect_vreg.gather [hbm4b:s4+s3], $0x80, v4, vm1, $0xb8;
	[tilespmem:$0x12180] =	vst v63  }
0x19d: {  	_ = 	snop  }
0x19e: {  	[tilespmem:s24], [sflag:$0x3] =	stream.indirect_vreg.gather [hbm4b:s1+s3], $0x80, v3, vm0, $0xb8;
	[tilespmem:$0x12180] =	vst v63  }
0x19f: {  	_ = 	snop  }
0x1a0: {  	[tilespmem:s2], [sflag:$0x3] =	stream.indirect_vreg.gather [hbm4b:s4+s3], $0x80, v3, vm1, $0xb8;
	[tilespmem:$0x12180] =	vst v63  }
0x1a1: {  	v3 =	vld [tilespmem:$0x110];
	_ =	sdelay $0x4  }
0x1a2: {  	v53 =	vshrl.u32 v3, $0x3  }
0x1a3: {  	v4 =	vmul.u32 $0x18, v53  }
0x1a4: {  	v3 =	vand.u32 $0x7, v3  }
0x1a5: {  	v3 =	vor.u32 v3, v4  }
0x1a6: {  	v4 =	vperm.xlane v3, v0;
	_ =	sdelay $0x1  }
0x1a7: {  	v4 =	vadd.s32 v1, v4;
	_ =	sdelay $0x1  }
0x1a8: {  	v3 =	vperm.xlane v3, v2;
	_ =	sdelay $0x1  }
0x1a9: {  	v3 =	vadd.s32 v1, v3  }
0x1aa: {  	[tilespmem:s8], [sflag:$0x3] =	stream.indirect_vreg.gather [hbm4b:s1+s3], $0x80, v4, vm0, $0xb8;
	[tilespmem:$0x12180] =	vst v63  }
0x1ab: {  	_ = 	snop  }
0x1ac: {  	[tilespmem:s9], [sflag:$0x3] =	stream.indirect_vreg.gather [hbm4b:s4+s3], $0x80, v4, vm1, $0xb8;
	[tilespmem:$0x12180] =	vst v63  }
0x1ad: {  	_ = 	snop  }
0x1ae: {  	[tilespmem:s10], [sflag:$0x3] =	stream.indirect_vreg.gather [hbm4b:s1+s3], $0x80, v3, vm0, $0xb8;
	[tilespmem:$0x12180] =	vst v63  }
0x1af: {  	_ = 	snop  }
0x1b0: {  	[tilespmem:s11], [sflag:$0x3] =	stream.indirect_vreg.gather [hbm4b:s4+s3], $0x80, v3, vm1, $0xb8;
	[tilespmem:$0x12180] =	vst v63  }
0x1b1: {  	v3 =	vld [tilespmem:$0x120];
	_ =	sdelay $0x4  }
0x1b2: {  	v54 =	vshrl.u32 v3, $0x3  }
0x1b3: {  	v4 =	vmul.u32 $0x18, v54  }
0x1b4: {  	v3 =	vand.u32 $0x7, v3  }
0x1b5: {  	v3 =	vor.u32 v3, v4  }
0x1b6: {  	v4 =	vperm.xlane v3, v0;
	_ =	sdelay $0x1  }
0x1b7: {  	v4 =	vadd.s32 v1, v4;
	_ =	sdelay $0x1  }
0x1b8: {  	v3 =	vperm.xlane v3, v2;
	_ =	sdelay $0x1  }
0x1b9: {  	v3 =	vadd.s32 v1, v3  }
0x1ba: {  	[tilespmem:s12], [sflag:$0x3] =	stream.indirect_vreg.gather [hbm4b:s1+s3], $0x80, v4, vm0, $0xb8;
	[tilespmem:$0x12180] =	vst v63  }
0x1bb: {  	_ = 	snop  }
0x1bc: {  	[tilespmem:s23], [sflag:$0x3] =	stream.indirect_vreg.gather [hbm4b:s4+s3], $0x80, v4, vm1, $0xb8;
	[tilespmem:$0x12180] =	vst v63  }
0x1bd: {  	_ = 	snop  }
0x1be: {  	[tilespmem:s25], [sflag:$0x3] =	stream.indirect_vreg.gather [hbm4b:s1+s3], $0x80, v3, vm0, $0xb8;
	[tilespmem:$0x12180] =	vst v63  }
0x1bf: {  	_ = 	snop  }
0x1c0: {  	[tilespmem:s26], [sflag:$0x3] =	stream.indirect_vreg.gather [hbm4b:s4+s3], $0x80, v3, vm1, $0xb8;
	[tilespmem:$0x12180] =	vst v63  }
0x1c1: {  	v3 =	vld [tilespmem:$0x130];
	_ =	sdelay $0x4  }
0x1c2: {  	v55 =	vshrl.u32 v3, $0x3  }
0x1c3: {  	v4 =	vmul.u32 $0x18, v55  }
0x1c4: {  	v3 =	vand.u32 $0x7, v3  }
0x1c5: {  	v3 =	vor.u32 v3, v4  }
0x1c6: {  	v4 =	vperm.xlane v3, v0;
	_ =	sdelay $0x1  }
0x1c7: {  	v4 =	vadd.s32 v1, v4;
	_ =	sdelay $0x1  }
0x1c8: {  	v3 =	vperm.xlane v3, v2;
	_ =	sdelay $0x1  }
0x1c9: {  	v3 =	vadd.s32 v1, v3  }
0x1ca: {  	[tilespmem:s28], [sflag:$0x3] =	stream.indirect_vreg.gather [hbm4b:s1+s3], $0x80, v4, vm0, $0xb8;
	[tilespmem:$0x12180] =	vst v63  }
0x1cb: {  	_ = 	snop  }
0x1cc: {  	[tilespmem:s29], [sflag:$0x3] =	stream.indirect_vreg.gather [hbm4b:s4+s3], $0x80, v4, vm1, $0xb8;
	[tilespmem:$0x12180] =	vst v63  }
0x1cd: {  	_ = 	snop  }
0x1ce: {  	[tilespmem:s30], [sflag:$0x3] =	stream.indirect_vreg.gather [hbm4b:s1+s3], $0x80, v3, vm0, $0xb8;
	[tilespmem:$0x12180] =	vst v63  }
0x1cf: {  	_ = 	snop  }
0x1d0: {  	[tilespmem:s31], [sflag:$0x3] =	stream.indirect_vreg.gather [hbm4b:s4+s3], $0x80, v3, vm1, $0xb8;
	[tilespmem:$0x12180] =	vst v63  }
0x1d1: {  	_ =	swait.ge [sflag:s16], $0x6000  }
0x1d2: {  	[sflag:s16] =	ssyncset.done $0x0  }
0x1d3: {  	s2 =	rddreg [dreg:$0xd];
	[sflag:s16] =	ssyncadd.s32 $0xFFFFA000  }
0x1d4: {  	[hbm4b:s2+s3] =	stream.linear.scatter [tilespmem:s0], [sflag:$0x4], $0x6000, $0x38;
	[tilespmem:$0x12180] =	vst v63  }
0x1d5: {  	_ =	swait.ge [sflag:s17], $0x6000  }
0x1d6: {  	[sflag:s17] =	ssyncset.done $0x0  }
0x1d7: {  	s2 =	rddreg [dreg:$0xe];
	[sflag:s17] =	ssyncadd.s32 $0xFFFFA000  }
0x1d8: {  	[tilespmem:s3], [sflag:$0x7] =	stream.linear.gather [hbm4b:s2+s3], $0x40, $0x38;
	[tilespmem:$0x12180] =	vst v63  }
0x1d9: {  	_ =	swait.ge [sflag:s6], $0x40  }
0x1da: {  	[sflag:s6] =	ssyncset.done $0x0  }
0x1db: {  	[sflag:s6] =	ssyncadd.s32 $0xFFFFFFC0  }
0x1dc: {  	v3 =	vld [tilespmem:$0x0];
	_ =	sdelay $0x4  }
0x1dd: {  	v56 =	vshrl.u32 v3, $0x3  }
0x1de: {  	v4 =	vmul.u32 $0x18, v56  }
0x1df: {  	v3 =	vand.u32 $0x7, v3  }
0x1e0: {  	v3 =	vor.u32 v3, v4  }
0x1e1: {  	v4 =	vperm.xlane v3, v0;
	_ =	sdelay $0x1  }
0x1e2: {  	v4 =	vadd.s32 v1, v4;
	_ =	sdelay $0x1  }
0x1e3: {  	v3 =	vperm.xlane v3, v2;
	_ =	sdelay $0x1  }
0x1e4: {  	v3 =	vadd.s32 v1, v3  }
0x1e5: {  	[tilespmem:s0], [sflag:$0x1] =	stream.indirect_vreg.gather [hbm4b:s1+s3], $0x80, v4, vm0, $0xb8;
	[tilespmem:$0x12180] =	vst v63  }
0x1e6: {  	s22 =	simm.s32 $0x980  }
0x1e7: {  	[tilespmem:s22], [sflag:$0x1] =	stream.indirect_vreg.gather [hbm4b:s4+s3], $0x80, v4, vm1, $0xb8;
	[tilespmem:$0x12180] =	vst v63  }
0x1e8: {  	s22 =	simm.s32 $0xD80  }
0x1e9: {  	[tilespmem:s22], [sflag:$0x1] =	stream.indirect_vreg.gather [hbm4b:s1+s3], $0x80, v3, vm0, $0xb8;
	[tilespmem:$0x12180] =	vst v63  }
0x1ea: {  	s22 =	simm.s32 $0x1580  }
0x1eb: {  	[tilespmem:s22], [sflag:$0x1] =	stream.indirect_vreg.gather [hbm4b:s4+s3], $0x80, v3, vm1, $0xb8;
	[tilespmem:$0x12180] =	vst v63  }
0x1ec: {  	v3 =	vld [tilespmem:$0x10];
	_ =	sdelay $0x4  }
0x1ed: {  	v57 =	vshrl.u32 v3, $0x3  }
0x1ee: {  	v4 =	vmul.u32 $0x18, v57  }
0x1ef: {  	v3 =	vand.u32 $0x7, v3  }
0x1f0: {  	v3 =	vor.u32 v3, v4  }
0x1f1: {  	v4 =	vperm.xlane v3, v0;
	_ =	sdelay $0x1  }
0x1f2: {  	v4 =	vadd.s32 v1, v4;
	_ =	sdelay $0x1  }
0x1f3: {  	v3 =	vperm.xlane v3, v2;
	_ =	sdelay $0x1  }
0x1f4: {  	s22 =	simm.s32 $0x1980;
	v3 =	vadd.s32 v1, v3  }
0x1f5: {  	[tilespmem:s22], [sflag:$0x1] =	stream.indirect_vreg.gather [hbm4b:s1+s3], $0x80, v4, vm0, $0xb8;
	[tilespmem:$0x12180] =	vst v63  }
0x1f6: {  	s22 =	simm.s32 $0x2180  }
0x1f7: {  	[tilespmem:s22], [sflag:$0x1] =	stream.indirect_vreg.gather [hbm4b:s4+s3], $0x80, v4, vm1, $0xb8;
	[tilespmem:$0x12180] =	vst v63  }
0x1f8: {  	s22 =	simm.s32 $0x2580  }
0x1f9: {  	[tilespmem:s22], [sflag:$0x1] =	stream.indirect_vreg.gather [hbm4b:s1+s3], $0x80, v3, vm0, $0xb8;
	[tilespmem:$0x12180] =	vst v63  }
0x1fa: {  	s22 =	simm.s32 $0x2D80  }
0x1fb: {  	[tilespmem:s22], [sflag:$0x1] =	stream.indirect_vreg.gather [hbm4b:s4+s3], $0x80, v3, vm1, $0xb8;
	[tilespmem:$0x12180] =	vst v63  }
0x1fc: {  	v3 =	vld [tilespmem:$0x20];
	_ =	sdelay $0x4  }
0x1fd: {  	v58 =	vshrl.u32 v3, $0x3  }
0x1fe: {  	v4 =	vmul.u32 $0x18, v58  }
0x1ff: {  	v3 =	vand.u32 $0x7, v3  }
0x200: {  	v3 =	vor.u32 v3, v4  }
0x201: {  	v4 =	vperm.xlane v3, v0;
	_ =	sdelay $0x1  }
0x202: {  	v4 =	vadd.s32 v1, v4;
	_ =	sdelay $0x1  }
0x203: {  	v3 =	vperm.xlane v3, v2;
	_ =	sdelay $0x1  }
0x204: {  	s22 =	simm.s32 $0x3180;
	v3 =	vadd.s32 v1, v3  }
0x205: {  	[tilespmem:s22], [sflag:$0x1] =	stream.indirect_vreg.gather [hbm4b:s1+s3], $0x80, v4, vm0, $0xb8;
	[tilespmem:$0x12180] =	vst v63  }
0x206: {  	s22 =	simm.s32 $0x3980  }
0x207: {  	[tilespmem:s22], [sflag:$0x1] =	stream.indirect_vreg.gather [hbm4b:s4+s3], $0x80, v4, vm1, $0xb8;
	[tilespmem:$0x12180] =	vst v63  }
0x208: {  	s22 =	simm.s32 $0x3D80  }
0x209: {  	[tilespmem:s22], [sflag:$0x1] =	stream.indirect_vreg.gather [hbm4b:s1+s3], $0x80, v3, vm0, $0xb8;
	[tilespmem:$0x12180] =	vst v63  }
0x20a: {  	s22 =	simm.s32 $0x4580  }
0x20b: {  	[tilespmem:s22], [sflag:$0x1] =	stream.indirect_vreg.gather [hbm4b:s4+s3], $0x80, v3, vm1, $0xb8;
	[tilespmem:$0x12180] =	vst v63  }
0x20c: {  	v3 =	vld [tilespmem:$0x30];
	_ =	sdelay $0x4  }
0x20d: {  	v59 =	vshrl.u32 v3, $0x3  }
0x20e: {  	v4 =	vmul.u32 $0x18, v59  }
0x20f: {  	v3 =	vand.u32 $0x7, v3  }
0x210: {  	v3 =	vor.u32 v3, v4  }
0x211: {  	v4 =	vperm.xlane v3, v0;
	_ =	sdelay $0x1  }
0x212: {  	v4 =	vadd.s32 v1, v4;
	_ =	sdelay $0x1  }
0x213: {  	v3 =	vperm.xlane v3, v2;
	_ =	sdelay $0x1  }
0x214: {  	s22 =	simm.s32 $0x4980;
	v3 =	vadd.s32 v1, v3  }
0x215: {  	[tilespmem:s22], [sflag:$0x1] =	stream.indirect_vreg.gather [hbm4b:s1+s3], $0x80, v4, vm0, $0xb8;
	[tilespmem:$0x12180] =	vst v63  }
0x216: {  	s22 =	simm.s32 $0x5180  }
0x217: {  	[tilespmem:s22], [sflag:$0x1] =	stream.indirect_vreg.gather [hbm4b:s4+s3], $0x80, v4, vm1, $0xb8;
	[tilespmem:$0x12180] =	vst v63  }
0x218: {  	s22 =	simm.s32 $0x5580  }
0x219: {  	[tilespmem:s22], [sflag:$0x1] =	stream.indirect_vreg.gather [hbm4b:s1+s3], $0x80, v3, vm0, $0xb8;
	[tilespmem:$0x12180] =	vst v63  }
0x21a: {  	s22 =	simm.s32 $0x5D80  }
0x21b: {  	[tilespmem:s22], [sflag:$0x1] =	stream.indirect_vreg.gather [hbm4b:s4+s3], $0x80, v3, vm1, $0xb8;
	[tilespmem:$0x12180] =	vst v63  }
0x21c: {  	_ =	swait.ge [sflag:s18], $0x6000  }
0x21d: {  	[sflag:s18] =	ssyncset.done $0x0  }
0x21e: {  	s2 =	rddreg [dreg:$0xf];
	[sflag:s18] =	ssyncadd.s32 $0xFFFFA000  }
0x21f: {  	[hbm4b:s2+s3] =	stream.linear.scatter [tilespmem:s20], [sflag:$0x5], $0x6000, $0x38;
	[tilespmem:$0x12180] =	vst v63  }
0x220: {  	_ =	swait.ge [sflag:s19], $0x6000  }
0x221: {  	[sflag:s19] =	ssyncset.done $0x0  }
0x222: {  	s2 =	simm.s32 $0x80;
	s22 =	rddreg [dreg:$0x10];
	[sflag:s19] =	ssyncadd.s32 $0xFFFFA000  }
0x223: {  	[tilespmem:s2], [sflag:$0x7] =	stream.linear.gather [hbm4b:s22+s3], $0x40, $0x38;
	[tilespmem:$0x12180] =	vst v63  }
0x224: {  	_ =	swait.ge [sflag:s6], $0x40  }
0x225: {  	[sflag:s6] =	ssyncset.done $0x0  }
0x226: {  	[sflag:s6] =	ssyncadd.s32 $0xFFFFFFC0  }
0x227: {  	v3 =	vld [tilespmem:$0x80];
	_ =	sdelay $0x4  }
0x228: {  	v60 =	vshrl.u32 v3, $0x3  }
0x229: {  	v4 =	vmul.u32 $0x18, v60  }
0x22a: {  	v3 =	vand.u32 $0x7, v3  }
0x22b: {  	v3 =	vor.u32 v3, v4  }
0x22c: {  	v4 =	vperm.xlane v3, v0;
	_ =	sdelay $0x1  }
0x22d: {  	v4 =	vadd.s32 v1, v4;
	_ =	sdelay $0x1  }
0x22e: {  	v3 =	vperm.xlane v3, v2;
	_ =	sdelay $0x1  }
0x22f: {  	v3 =	vadd.s32 v1, v3  }
0x230: {  	[tilespmem:s20], [sflag:$0x2] =	stream.indirect_vreg.gather [hbm4b:s1+s3], $0x80, v4, vm0, $0xb8;
	[tilespmem:$0x12180] =	vst v63  }
0x231: {  	s22 =	simm.s32 $0x6980  }
0x232: {  	[tilespmem:s22], [sflag:$0x2] =	stream.indirect_vreg.gather [hbm4b:s4+s3], $0x80, v4, vm1, $0xb8;
	[tilespmem:$0x12180] =	vst v63  }
0x233: {  	s22 =	simm.s32 $0x6D80  }
0x234: {  	[tilespmem:s22], [sflag:$0x2] =	stream.indirect_vreg.gather [hbm4b:s1+s3], $0x80, v3, vm0, $0xb8;
	[tilespmem:$0x12180] =	vst v63  }
0x235: {  	s22 =	simm.s32 $0x7580  }
0x236: {  	[tilespmem:s22], [sflag:$0x2] =	stream.indirect_vreg.gather [hbm4b:s4+s3], $0x80, v3, vm1, $0xb8;
	[tilespmem:$0x12180] =	vst v63  }
0x237: {  	v3 =	vld [tilespmem:$0x90];
	_ =	sdelay $0x4  }
0x238: {  	v61 =	vshrl.u32 v3, $0x3  }
0x239: {  	v4 =	vmul.u32 $0x18, v61  }
0x23a: {  	v3 =	vand.u32 $0x7, v3  }
0x23b: {  	v3 =	vor.u32 v3, v4  }
0x23c: {  	v4 =	vperm.xlane v3, v0;
	_ =	sdelay $0x1  }
0x23d: {  	v4 =	vadd.s32 v1, v4;
	_ =	sdelay $0x1  }
0x23e: {  	v3 =	vperm.xlane v3, v2;
	_ =	sdelay $0x1  }
0x23f: {  	s22 =	simm.s32 $0x7980;
	v3 =	vadd.s32 v1, v3  }
0x240: {  	[tilespmem:s22], [sflag:$0x2] =	stream.indirect_vreg.gather [hbm4b:s1+s3], $0x80, v4, vm0, $0xb8;
	[tilespmem:$0x12180] =	vst v63  }
0x241: {  	s22 =	simm.s32 $0x8180  }
0x242: {  	[tilespmem:s22], [sflag:$0x2] =	stream.indirect_vreg.gather [hbm4b:s4+s3], $0x80, v4, vm1, $0xb8;
	[tilespmem:$0x12180] =	vst v63  }
0x243: {  	s22 =	simm.s32 $0x8580  }
0x244: {  	[tilespmem:s22], [sflag:$0x2] =	stream.indirect_vreg.gather [hbm4b:s1+s3], $0x80, v3, vm0, $0xb8;
	[tilespmem:$0x12180] =	vst v63  }
0x245: {  	s22 =	simm.s32 $0x8D80  }
0x246: {  	[tilespmem:s22], [sflag:$0x2] =	stream.indirect_vreg.gather [hbm4b:s4+s3], $0x80, v3, vm1, $0xb8;
	[tilespmem:$0x12180] =	vst v63  }
0x247: {  	v3 =	vld [tilespmem:$0xA0];
	_ =	sdelay $0x4  }
0x248: {  	v62 =	vshrl.u32 v3, $0x3  }
0x249: {  	v4 =	vmul.u32 $0x18, v62  }
0x24a: {  	v3 =	vand.u32 $0x7, v3  }
0x24b: {  	v3 =	vor.u32 v3, v4  }
0x24c: {  	v4 =	vperm.xlane v3, v0;
	_ =	sdelay $0x1  }
0x24d: {  	v4 =	vadd.s32 v1, v4;
	_ =	sdelay $0x1  }
0x24e: {  	v3 =	vperm.xlane v3, v2;
	_ =	sdelay $0x1  }
0x24f: {  	s22 =	simm.s32 $0x9180;
	v3 =	vadd.s32 v1, v3  }
0x250: {  	[tilespmem:s22], [sflag:$0x2] =	stream.indirect_vreg.gather [hbm4b:s1+s3], $0x80, v4, vm0, $0xb8;
	[tilespmem:$0x12180] =	vst v63  }
0x251: {  	s22 =	simm.s32 $0x9980  }
0x252: {  	[tilespmem:s22], [sflag:$0x2] =	stream.indirect_vreg.gather [hbm4b:s4+s3], $0x80, v4, vm1, $0xb8;
	[tilespmem:$0x12180] =	vst v63  }
0x253: {  	s22 =	simm.s32 $0x9D80  }
0x254: {  	[tilespmem:s22], [sflag:$0x2] =	stream.indirect_vreg.gather [hbm4b:s1+s3], $0x80, v3, vm0, $0xb8;
	[tilespmem:$0x12180] =	vst v63  }
0x255: {  	s22 =	simm.s32 $0xA580  }
0x256: {  	[tilespmem:s22], [sflag:$0x2] =	stream.indirect_vreg.gather [hbm4b:s4+s3], $0x80, v3, vm1, $0xb8;
	[tilespmem:$0x12180] =	vst v63  }
0x257: {  	v3 =	vld [tilespmem:$0xB0];
	_ =	sdelay $0x4  }
0x258: {  	v63 =	vshrl.u32 v3, $0x3  }
0x259: {  	v4 =	vmul.u32 $0x18, v63  }
0x25a: {  	v3 =	vand.u32 $0x7, v3  }
0x25b: {  	v3 =	vor.u32 v3, v4  }
0x25c: {  	v4 =	vperm.xlane v3, v0;
	_ =	sdelay $0x1  }
0x25d: {  	v4 =	vadd.s32 v1, v4;
	_ =	sdelay $0x1  }
0x25e: {  	v3 =	vperm.xlane v3, v2;
	_ =	sdelay $0x1  }
0x25f: {  	s22 =	simm.s32 $0xA980;
	v3 =	vadd.s32 v1, v3  }
0x260: {  	[tilespmem:s22], [sflag:$0x2] =	stream.indirect_vreg.gather [hbm4b:s1+s3], $0x80, v4, vm0, $0xb8;
	[tilespmem:$0x12180] =	vst v63  }
0x261: {  	s22 =	simm.s32 $0xB180  }
0x262: {  	[tilespmem:s22], [sflag:$0x2] =	stream.indirect_vreg.gather [hbm4b:s4+s3], $0x80, v4, vm1, $0xb8;
	[tilespmem:$0x12180] =	vst v63  }
0x263: {  	s22 =	simm.s32 $0xB580  }
0x264: {  	[tilespmem:s22], [sflag:$0x2] =	stream.indirect_vreg.gather [hbm4b:s1+s3], $0x80, v3, vm0, $0xb8;
	[tilespmem:$0x12180] =	vst v63  }
0x265: {  	s22 =	simm.s32 $0xBD80  }
0x266: {  	[tilespmem:s22], [sflag:$0x2] =	stream.indirect_vreg.gather [hbm4b:s4+s3], $0x80, v3, vm1, $0xb8;
	[tilespmem:$0x12180] =	vst v63  }
0x267: {  	_ =	swait.ge [sflag:s13], $0x6000  }
0x268: {  	[sflag:s13] =	ssyncset.done $0x0  }
0x269: {  	s2 =	rddreg [dreg:$0x11];
	[sflag:s13] =	ssyncadd.s32 $0xFFFFA000  }
0x26a: {  	[hbm4b:s2+s3] =	stream.linear.scatter [tilespmem:s15], [sflag:$0x6], $0x6000, $0x38;
	[tilespmem:$0x12180] =	vst v63  }
0x26b: {  	_ =	swait.ge [sflag:s16], $0x6000  }
0x26c: {  	[sflag:s16] =	ssyncset.done $0x0  }
0x26d: {  	s2 =	rddreg [dreg:$0x12];
	[sflag:s16] =	ssyncadd.s32 $0xFFFFA000  }
0x26e: {  	[hbm4b:s2+s3] =	stream.linear.scatter [tilespmem:s0], [sflag:$0x4], $0x6000, $0x38;
	[tilespmem:$0x12180] =	vst v63  }
0x26f: {  	_ =	swait.ge [sflag:s18], $0x6000  }
0x270: {  	[sflag:s18] =	ssyncset.done $0x0  }
0x271: {  	s13 =	rddreg [dreg:$0x13];
	[sflag:s18] =	ssyncadd.s32 $0xFFFFA000  }
0x272: {  	[hbm4b:s13+s3] =	stream.linear.scatter [tilespmem:s20], [sflag:$0x5], $0x6000, $0x38;
	[tilespmem:$0x12180] =	vst v63  }
0x273: {  	_ =	swait.ge [sflag:s17], $0x6000  }
0x274: {  	[sflag:s17] =	ssyncset.done $0x0  }
0x275: {  	[sflag:s17] =	ssyncadd.s32 $0xFFFFA000  }
0x276: {  	p0 =	sne.s32 s5, $0x1;
	_ =	swait.ge [sflag:s19], $0x6000  }
.Ltmp0:
0x277: {  	[sflag:s19] =	ssyncset.done $0x0;
	(pc) =	sbr.rel @p0 .LBB2_1-.Ltmp0, $4  }
0x278: {  	[sflag:s19] =	ssyncadd.s32 $0xFFFFA000  }
0x279: {  	_ =	swait.ge [sflag:s21], $0x6000  }
0x27a: {  	[sflag:s21] =	ssyncset.done $0x0  }
0x27b: {  	s5 =	sadd.s32 $0xFFFFFFFF, s5;
	[sflag:s21] =	ssyncadd.s32 $0xFFFFA000  }
0x27c: {  	_ =	sfence.sel $0x180000  }
0x27d: {  	[bflag:$0x0] =	sbarrier.arrive $0xFFFF  }
0x27e: {  	_ =	strace $0x90000047  }
0x27f: {  	s0 =	stileid.u32;
	[bflag:$0x2] =	sbarrier.arrive $0xFFFF  }
0x280: {  	p0 =	sne.s32 s0, $0x0;
	s0 =	rddreg [dreg:$0x3]  }
0x281: {  	s0 =	sadd.s32 @!p0 $0x100000, s0  }
0x282: {  	[sflag:s0] =	ssyncadd.tile.s32 @!p0 $0x1;
	_ =	shalt  }
.Lfunc_end2:
_tile_overlayer_lowered:
.L_overlay_start_2:
0x283: {  	(tag) =	ssettag $0x2  }
0x284: {  	s0 =	rddreg [dreg:$0x0];
	s2 =	stileid.u32  }
0x285: {  	s1 =	rddreg [dreg:$0x1];
	p0 =	sne.s32 s2, $0x0  }
0x286: {  	s3 =	rddreg [dreg:$0x2];
	[bflag:$0x3] =	sbarrier.arrive $0xFFFF;
	s2 =	simm.s32 @!p0 $0x1C07  }
0x287: {  	[timem:s3], [sflag:s2] =	dma.local @!p0 [hbm:s0], s1  }
0x288: {  	s0 =	simm.s32 @!p0 $0x7  }
0x289: {  	_ =	swait.ge @!p0 [sflag:s0], s1  }
0x28a: {  	s1 =	ssub.s32 @!p0 $0x0, s1;
	[sflag:s0] =	ssyncset.done @!p0 $0x0  }
0x28b: {  	[sflag:s0] =	ssyncadd.s32 @!p0 s1  }
0x28c: {  	[bflag:$0x3] =	sbarrier.arrive $0xFFFF  }
0x28d: {  	_ =	shalt  }

</sc_bundles>
